<compile_context>
chip_gen: v7x
topology: tpu7x:2x2x1
jax: 0.10.2.dev20260603
libtpu: 0.0.44.dev20260713+nightly
codegen_flags: <defaults>
</compile_context>

<pallas_src>
import functools

import jax
import jax.numpy as jnp
from jax import lax
from jax.experimental import pallas as pl
from jax.experimental.pallas import tpu as pltpu
from jax.experimental.pallas import tpu_sc as plsc

_TOKENS = 16384
_HIDDEN = 4096
_EXPERTS = 64
_TOPK = 8
_BT = 512
_NCHUNK = 1

_NC = 2
_NS = 16
_L = 16
_NW = _NC * _NS
_TPW = _TOKENS // _NW


def _logits_body(x_ref, w_ref, o_ref):
    o_ref[...] = lax.dot_general(
        x_ref[...], w_ref[...],
        dimension_numbers=(((1,), (1,)), ((), ())),
        preferred_element_type=jnp.float32)


def _compute_logits(hs, w, chunk, ct):
    nb = ct // _BT
    return pl.pallas_call(
        _logits_body,
        grid=(nb,),
        in_specs=[
            pl.BlockSpec((_BT, _HIDDEN), lambda i, c=chunk, n=nb: (c * n + i, 0)),
            pl.BlockSpec((_EXPERTS, _HIDDEN), lambda i: (0, 0)),
        ],
        out_specs=pl.BlockSpec((_BT, _EXPERTS), lambda i: (i, 0)),
        out_shape=jax.ShapeDtypeStruct((ct, _EXPERTS), jnp.float32),
    )(hs, w)


def _topk_body(tpw, logits_hbm, scores_hbm, idx_hbm, slab, sc_v, ix_v):
    wid = lax.axis_index("s") * _NC + lax.axis_index("c")
    base = wid * tpw
    pltpu.sync_copy(logits_hbm.at[pl.ds(base, tpw)], slab)

    lane = lax.iota(jnp.int32, _L)
    topmask = lane < _TOPK

    @plsc.parallel_loop(0, tpw, 1, unroll=4)
    def body(i):
        v0 = slab[i, pl.ds(0, _L)]
        v1 = slab[i, pl.ds(_L, _L)]
        v2 = slab[i, pl.ds(2 * _L, _L)]
        v3 = slab[i, pl.ds(3 * _L, _L)]
        s0k, s0i = plsc.sort_key_val(v0, lane, descending=True)
        s1k, s1i = plsc.sort_key_val(v1, lane + _L, descending=False)
        s2k, s2i = plsc.sort_key_val(v2, lane + 2 * _L, descending=True)
        s3k, s3i = plsc.sort_key_val(v3, lane + 3 * _L, descending=False)
        m = s0k >= s1k
        l01k, l01i = plsc.sort_key_val(jnp.where(m, s0k, s1k),
                                       jnp.where(m, s0i, s1i),
                                       descending=True)
        m = s2k >= s3k
        l23k, l23i = plsc.sort_key_val(jnp.where(m, s2k, s3k),
                                       jnp.where(m, s2i, s3i),
                                       descending=False)
        m = l01k >= l23k
        fk, fi = plsc.sort_key_val(jnp.where(m, l01k, l23k),
                                   jnp.where(m, l01i, l23i),
                                   descending=True)
        mx = jnp.max(fk)
        e = jnp.where(topmask, jnp.exp(fk - mx), 0.0)
        s = jnp.sum(e)
        plsc.store_compressed(sc_v.at[pl.ds(i * _TOPK, _L)], e / s,
                              mask=topmask)
        plsc.store_compressed(ix_v.at[pl.ds(i * _TOPK, _L)], fi,
                              mask=topmask)

    flat = tpw * _TOPK
    pltpu.sync_copy(sc_v.at[pl.ds(0, flat)],
                    scores_hbm.at[pl.ds(base * _TOPK, flat)])
    pltpu.sync_copy(ix_v.at[pl.ds(0, flat)],
                    idx_hbm.at[pl.ds(base * _TOPK, flat)])


def _router_topk(logits, ct):
    tpw = ct // _NW
    mesh = plsc.VectorSubcoreMesh(core_axis_name="c", subcore_axis_name="s",
                                  num_cores=_NC, num_subcores=_NS)
    fn = pl.kernel(
        functools.partial(_topk_body, tpw),
        out_type=(
            jax.ShapeDtypeStruct((ct * _TOPK,), jnp.float32),
            jax.ShapeDtypeStruct((ct * _TOPK,), jnp.int32),
        ),
        mesh=mesh,
        compiler_params=pltpu.CompilerParams(needs_layout_passes=False),
        scratch_types=[
            pltpu.VMEM((tpw, _EXPERTS), jnp.float32),
            pltpu.VMEM((tpw * _TOPK + _L,), jnp.float32),
            pltpu.VMEM((tpw * _TOPK + _L,), jnp.int32),
        ],
    )
    return fn(logits)


def kernel(hidden_states, weight):
    hs = hidden_states.reshape(-1, _HIDDEN)
    ct = _TOKENS // _NCHUNK
    parts = []
    for c in range(_NCHUNK):
        lg = _compute_logits(hs, weight, c, ct)
        sc, ix = _router_topk(lg, ct)
        parts.append((lg, sc, ix))
    logits = jnp.concatenate([p[0] for p in parts], axis=0)
    scores = jnp.concatenate([p[1] for p in parts]).reshape(_TOKENS, _TOPK)
    idx = jnp.concatenate([p[2] for p in parts]).reshape(_TOKENS, _TOPK)
    return (logits, scores, idx)

# --- scband reference (transcript-rebuilt; emitter-appended) ---
"""Pipeline reference for scband-qwen3-vlmoe-text-top-krouter-33964601377269 (READ-ONLY COPY).

The authoritative reference and input builder live on the scoring server;
editing this copy changes nothing except your own understanding.
"""

import jax, jax.numpy as jnp
import numpy as np

NUM_EXPERTS = 64
TOP_K = 8
HIDDEN = 4096
TOKENS = 16384


def setup_inputs(seed: int = 0) -> dict:
    key = jax.random.key(seed)
    k1, k2 = jax.random.split(key)
    hidden_states = jax.random.normal(k1, (TOKENS, HIDDEN), dtype=jnp.float32)
    weight = jax.random.normal(k2, (NUM_EXPERTS, HIDDEN), dtype=jnp.float32) * 0.02
    return {"hidden_states": hidden_states, "weight": weight}


def reference(hidden_states, weight):
    hs = hidden_states.reshape(-1, HIDDEN)
    # F.linear(x, W) == x @ W.T
    router_logits = hs @ weight.T
    router_probs = jax.nn.softmax(router_logits.astype(jnp.float32), axis=-1)
    router_top_value, router_indices = jax.lax.top_k(router_probs, TOP_K)
    router_top_value = router_top_value / jnp.sum(router_top_value, axis=-1, keepdims=True)
    router_scores = router_top_value.astype(router_logits.dtype)
    return (router_logits, router_scores, router_indices)

if __name__ == "__main__":
    import jax
    _d = setup_inputs()
    print(jax.jit(kernel)(*tuple(_d.values())))

</pallas_src>

<mosaic_0001>
#map = affine_map<(d0, d1) -> (0, 0)>
#map1 = affine_map<(d0, d1) -> (0)>
module attributes {stable_mosaic.version = 14 : i64} {
  func.func @_topk_body(%arg0: i32, %arg1: i32, %arg2: memref<16384x64xf32, #tpu.memory_space<hbm>>, %arg3: memref<131072xf32, #tpu.memory_space<hbm>>, %arg4: memref<131072xi32, #tpu.memory_space<hbm>>, %arg5: memref<512x64xf32, #tpu.memory_space<vmem>>, %arg6: memref<4112xf32, #tpu.memory_space<vmem>>, %arg7: memref<4112xi32, #tpu.memory_space<vmem>>) attributes {dimension_semantics = [#tpu.dimension_semantics<core_parallel>, #tpu.dimension_semantics<subcore_parallel>], iteration_bounds = array<i64: 2, 16>, scalar_prefetch = 0 : i64, scratch_operands = 3 : i64, tpu.core_type = #tpu.core_type<sc_vector_subcore>, window_params = [{transform_indices = #map}, {transform_indices = #map1}, {transform_indices = #map1}]} {
    %mul3A = arith.constant 2 : i32
    %mul3A_0 = arith.muli %arg1, %mul3A : i32
    %add3A = arith.addi %mul3A_0, %arg0 : i32
    %mul3A_1 = arith.constant 512 : i32
    %mul3A_2 = arith.muli %add3A, %mul3A_1 : i32
    "tpu.region"() ({
      %run_scoped3A = tpu.sem_alloc : memref<!tpu.dma_semaphore, #tpu.memory_space<semaphore_mem>>
      %dma_start3A = arith.constant 0 : i32
      %dma_start3A_11 = tpu.memref_slice %arg2[%mul3A_2, %dma_start3A] : memref<16384x64xf32, #tpu.memory_space<hbm>> -> memref<512x64xf32, #tpu.memory_space<hbm>>
      %dma_start3A_12 = arith.constant 0 : i32
      %dma_start3A_13 = tpu.memref_slice %arg2[%mul3A_2, %dma_start3A_12] : memref<16384x64xf32, #tpu.memory_space<hbm>> -> memref<512x64xf32, #tpu.memory_space<hbm>>
      tpu.enqueue_dma source(%dma_start3A_13 : memref<512x64xf32, #tpu.memory_space<hbm>>) target(%arg5 : memref<512x64xf32, #tpu.memory_space<vmem>>) target_semaphore(%run_scoped3A : memref<!tpu.dma_semaphore, #tpu.memory_space<semaphore_mem>>)
      %dma_wait3A = arith.constant 0 : i32
      %dma_wait3A_14 = tpu.memref_slice %arg2[%mul3A_2, %dma_wait3A] : memref<16384x64xf32, #tpu.memory_space<hbm>> -> memref<512x64xf32, #tpu.memory_space<hbm>>
      %dma_wait3A_15 = arith.constant 0 : i32
      %dma_wait3A_16 = tpu.memref_slice %arg2[%mul3A_2, %dma_wait3A_15] : memref<16384x64xf32, #tpu.memory_space<hbm>> -> memref<512x64xf32, #tpu.memory_space<hbm>>
      tpu.wait_dma2 semaphore(%run_scoped3A : memref<!tpu.dma_semaphore, #tpu.memory_space<semaphore_mem>>) src(%dma_wait3A_16 : memref<512x64xf32, #tpu.memory_space<hbm>>) dst(%arg5 : memref<512x64xf32, #tpu.memory_space<vmem>>)
      tpu.yield
    }) : () -> ()
    %iota3A = tpu.iota {dimensions = array<i32: 0>} : vector<16xi32>
    %lt3A = arith.constant 8 : i32
    %lt3A_3 = vector.broadcast %lt3A : i32 to vector<16xi32>
    %lt3A_4 = arith.cmpi slt, %iota3A, %lt3A_3 : vector<16xi32>
    %parallel_loop3A = arith.constant 0 : i32
    %parallel_loop3A_5 = arith.constant 512 : i32
    %parallel_loop3A_6 = arith.constant 1 : i32
    scf.for %parallel_loop3A_11 = %parallel_loop3A to %parallel_loop3A_5 step %parallel_loop3A_6  : i32 {
      %parallel_loop3A_12 = arith.index_cast %parallel_loop3A_11 : i32 to index
      %parallel_loop3A_13 = arith.constant 0 : index
      %parallel_loop3A_14 = tpu.vector_load %arg5[%parallel_loop3A_12, %parallel_loop3A_13] {strides = array<i32>} : memref<512x64xf32, #tpu.memory_space<vmem>>, vector<16xf32>,
      %parallel_loop3A_15 = arith.index_cast %parallel_loop3A_11 : i32 to index
      %parallel_loop3A_16 = arith.constant 16 : index
      %parallel_loop3A_17 = tpu.vector_load %arg5[%parallel_loop3A_15, %parallel_loop3A_16] {strides = array<i32>} : memref<512x64xf32, #tpu.memory_space<vmem>>, vector<16xf32>,
      %parallel_loop3A_18 = arith.index_cast %parallel_loop3A_11 : i32 to index
      %parallel_loop3A_19 = arith.constant 32 : index
      %parallel_loop3A_20 = tpu.vector_load %arg5[%parallel_loop3A_18, %parallel_loop3A_19] {strides = array<i32>} : memref<512x64xf32, #tpu.memory_space<vmem>>, vector<16xf32>,
      %parallel_loop3A_21 = arith.index_cast %parallel_loop3A_11 : i32 to index
      %parallel_loop3A_22 = arith.constant 48 : index
      %parallel_loop3A_23 = tpu.vector_load %arg5[%parallel_loop3A_21, %parallel_loop3A_22] {strides = array<i32>} : memref<512x64xf32, #tpu.memory_space<vmem>>, vector<16xf32>,
      %parallel_loop3A_24 = arith.constant dense<true> : vector<16xi1>
      %parallel_loop3A_25, %parallel_loop3A_26, %parallel_loop3A_27 = tpu.sort %parallel_loop3A_14, %iota3A masked %parallel_loop3A_24 {descending = true} : (vector<16xf32>, vector<16xi32>, vector<16xi1>) -> (vector<16xi1>, vector<16xf32>, vector<16xi32>)
      %parallel_loop3A_28 = arith.constant 16 : i32
      %parallel_loop3A_29 = vector.broadcast %parallel_loop3A_28 : i32 to vector<16xi32>
      %parallel_loop3A_30 = arith.addi %iota3A, %parallel_loop3A_29 : vector<16xi32>
      %parallel_loop3A_31 = arith.constant dense<true> : vector<16xi1>
      %parallel_loop3A_32, %parallel_loop3A_33, %parallel_loop3A_34 = tpu.sort %parallel_loop3A_17, %parallel_loop3A_30 masked %parallel_loop3A_31 : (vector<16xf32>, vector<16xi32>, vector<16xi1>) -> (vector<16xi1>, vector<16xf32>, vector<16xi32>)
      %parallel_loop3A_35 = arith.constant 32 : i32
      %parallel_loop3A_36 = vector.broadcast %parallel_loop3A_35 : i32 to vector<16xi32>
      %parallel_loop3A_37 = arith.addi %iota3A, %parallel_loop3A_36 : vector<16xi32>
      %parallel_loop3A_38 = arith.constant dense<true> : vector<16xi1>
      %parallel_loop3A_39, %parallel_loop3A_40, %parallel_loop3A_41 = tpu.sort %parallel_loop3A_20, %parallel_loop3A_37 masked %parallel_loop3A_38 {descending = true} : (vector<16xf32>, vector<16xi32>, vector<16xi1>) -> (vector<16xi1>, vector<16xf32>, vector<16xi32>)
      %parallel_loop3A_42 = arith.constant 48 : i32
      %parallel_loop3A_43 = vector.broadcast %parallel_loop3A_42 : i32 to vector<16xi32>
      %parallel_loop3A_44 = arith.addi %iota3A, %parallel_loop3A_43 : vector<16xi32>
      %parallel_loop3A_45 = arith.constant dense<true> : vector<16xi1>
      %parallel_loop3A_46, %parallel_loop3A_47, %parallel_loop3A_48 = tpu.sort %parallel_loop3A_23, %parallel_loop3A_44 masked %parallel_loop3A_45 : (vector<16xf32>, vector<16xi32>, vector<16xi1>) -> (vector<16xi1>, vector<16xf32>, vector<16xi32>)
      %parallel_loop3A_49 = arith.cmpf oge, %parallel_loop3A_26, %parallel_loop3A_33 : vector<16xf32>
      %parallel_loop3A_50 = arith.select %parallel_loop3A_49, %parallel_loop3A_26, %parallel_loop3A_33 : vector<16xi1>, vector<16xf32>
      %parallel_loop3A_51 = arith.select %parallel_loop3A_49, %parallel_loop3A_27, %parallel_loop3A_34 : vector<16xi1>, vector<16xi32>
      %parallel_loop3A_52 = arith.constant dense<true> : vector<16xi1>
      %parallel_loop3A_53, %parallel_loop3A_54, %parallel_loop3A_55 = tpu.sort %parallel_loop3A_50, %parallel_loop3A_51 masked %parallel_loop3A_52 {descending = true} : (vector<16xf32>, vector<16xi32>, vector<16xi1>) -> (vector<16xi1>, vector<16xf32>, vector<16xi32>)
      %parallel_loop3A_56 = arith.cmpf oge, %parallel_loop3A_40, %parallel_loop3A_47 : vector<16xf32>
      %parallel_loop3A_57 = arith.select %parallel_loop3A_56, %parallel_loop3A_40, %parallel_loop3A_47 : vector<16xi1>, vector<16xf32>
      %parallel_loop3A_58 = arith.select %parallel_loop3A_56, %parallel_loop3A_41, %parallel_loop3A_48 : vector<16xi1>, vector<16xi32>
      %parallel_loop3A_59 = arith.constant dense<true> : vector<16xi1>
      %parallel_loop3A_60, %parallel_loop3A_61, %parallel_loop3A_62 = tpu.sort %parallel_loop3A_57, %parallel_loop3A_58 masked %parallel_loop3A_59 : (vector<16xf32>, vector<16xi32>, vector<16xi1>) -> (vector<16xi1>, vector<16xf32>, vector<16xi32>)
      %parallel_loop3A_63 = arith.cmpf oge, %parallel_loop3A_54, %parallel_loop3A_61 : vector<16xf32>
      %parallel_loop3A_64 = arith.select %parallel_loop3A_63, %parallel_loop3A_54, %parallel_loop3A_61 : vector<16xi1>, vector<16xf32>
      %parallel_loop3A_65 = arith.select %parallel_loop3A_63, %parallel_loop3A_55, %parallel_loop3A_62 : vector<16xi1>, vector<16xi32>
      %parallel_loop3A_66 = arith.constant dense<true> : vector<16xi1>
      %parallel_loop3A_67, %parallel_loop3A_68, %parallel_loop3A_69 = tpu.sort %parallel_loop3A_64, %parallel_loop3A_65 masked %parallel_loop3A_66 {descending = true} : (vector<16xf32>, vector<16xi32>, vector<16xi1>) -> (vector<16xi1>, vector<16xf32>, vector<16xi32>)
      %parallel_loop3A_70 = arith.constant true
      %parallel_loop3A_71 = vector.broadcast %parallel_loop3A_70 : i1 to vector<16xi1>
      %parallel_loop3A_72 = tpu.scan <max>, %parallel_loop3A_68 masked %parallel_loop3A_71 : vector<16xf32>, vector<16xi1> -> vector<16xf32>
      %parallel_loop3A_73 = vector.extract %parallel_loop3A_72[15] : f32 from vector<16xf32>
      %parallel_loop3A_74 = vector.broadcast %parallel_loop3A_73 : f32 to vector<16xf32>
      %parallel_loop3A_75 = arith.subf %parallel_loop3A_68, %parallel_loop3A_74 : vector<16xf32>
      %parallel_loop3A_76 = math.exp %parallel_loop3A_75 : vector<16xf32>
      %parallel_loop3A_77 = arith.constant 0.000000e+00 : f32
      %parallel_loop3A_78 = vector.broadcast %parallel_loop3A_77 : f32 to vector<16xf32>
      %parallel_loop3A_79 = arith.select %lt3A_4, %parallel_loop3A_76, %parallel_loop3A_78 : vector<16xi1>, vector<16xf32>
      %parallel_loop3A_80 = arith.constant true
      %parallel_loop3A_81 = vector.broadcast %parallel_loop3A_80 : i1 to vector<16xi1>
      %parallel_loop3A_82 = tpu.scan <sum>, %parallel_loop3A_79 masked %parallel_loop3A_81 : vector<16xf32>, vector<16xi1> -> vector<16xf32>
      %parallel_loop3A_83 = vector.extract %parallel_loop3A_82[15] : f32 from vector<16xf32>
      %parallel_loop3A_84 = arith.constant 8 : i32
      %parallel_loop3A_85 = arith.muli %parallel_loop3A_11, %parallel_loop3A_84 : i32
      %parallel_loop3A_86 = vector.broadcast %parallel_loop3A_83 : f32 to vector<16xf32>
      %parallel_loop3A_87 = arith.divf %parallel_loop3A_79, %parallel_loop3A_86 : vector<16xf32>
      %parallel_loop3A_88 = arith.index_cast %parallel_loop3A_85 : i32 to index
      %parallel_loop3A_89 = tpu.vector_load %arg6[%parallel_loop3A_88] masked %lt3A_4 {strides = array<i32>} : memref<4112xf32, #tpu.memory_space<vmem>>, vector<16xf32>, vector<16xi1>
      tpu.vector_store %arg6[%parallel_loop3A_88], %parallel_loop3A_87 masked %lt3A_4 {strides = array<i32>} : memref<4112xf32, #tpu.memory_space<vmem>>, vector<16xf32>, vector<16xi1>
      %parallel_loop3A_90 = arith.constant 8 : i32
      %parallel_loop3A_91 = arith.muli %parallel_loop3A_11, %parallel_loop3A_90 : i32
      %parallel_loop3A_92 = arith.index_cast %parallel_loop3A_91 : i32 to index
      %parallel_loop3A_93 = tpu.vector_load %arg7[%parallel_loop3A_92] masked %lt3A_4 {strides = array<i32>} : memref<4112xi32, #tpu.memory_space<vmem>>, vector<16xi32>, vector<16xi1>
      tpu.vector_store %arg7[%parallel_loop3A_92], %parallel_loop3A_69 masked %lt3A_4 {strides = array<i32>} : memref<4112xi32, #tpu.memory_space<vmem>>, vector<16xi32>, vector<16xi1>
    } {sc.loop_unroll_factor = 4 : i64, sc.parallel_access}
    %mul3A_7 = arith.constant 8 : i32
    %mul3A_8 = arith.muli %mul3A_2, %mul3A_7 : i32
    "tpu.region"() ({
      %run_scoped3A = tpu.sem_alloc : memref<!tpu.dma_semaphore, #tpu.memory_space<semaphore_mem>>
      %dma_start3A = arith.constant 0 : i32
      %dma_start3A_11 = tpu.memref_slice %arg6[%dma_start3A] : memref<4112xf32, #tpu.memory_space<vmem>> -> memref<4096xf32, #tpu.memory_space<vmem>>
      %dma_start3A_12 = tpu.memref_slice %arg3[%mul3A_8] : memref<131072xf32, #tpu.memory_space<hbm>> -> memref<4096xf32, #tpu.memory_space<hbm>>
      %dma_start3A_13 = tpu.memref_slice %arg3[%mul3A_8] : memref<131072xf32, #tpu.memory_space<hbm>> -> memref<4096xf32, #tpu.memory_space<hbm>>
      %dma_start3A_14 = arith.constant 0 : i32
      %dma_start3A_15 = tpu.memref_slice %arg6[%dma_start3A_14] : memref<4112xf32, #tpu.memory_space<vmem>> -> memref<4096xf32, #tpu.memory_space<vmem>>
      tpu.enqueue_dma source(%dma_start3A_15 : memref<4096xf32, #tpu.memory_space<vmem>>) target(%dma_start3A_13 : memref<4096xf32, #tpu.memory_space<hbm>>) target_semaphore(%run_scoped3A : memref<!tpu.dma_semaphore, #tpu.memory_space<semaphore_mem>>)
      %dma_wait3A = arith.constant 0 : i32
      %dma_wait3A_16 = tpu.memref_slice %arg6[%dma_wait3A] : memref<4112xf32, #tpu.memory_space<vmem>> -> memref<4096xf32, #tpu.memory_space<vmem>>
      %dma_wait3A_17 = tpu.memref_slice %arg3[%mul3A_8] : memref<131072xf32, #tpu.memory_space<hbm>> -> memref<4096xf32, #tpu.memory_space<hbm>>
      %dma_wait3A_18 = tpu.memref_slice %arg3[%mul3A_8] : memref<131072xf32, #tpu.memory_space<hbm>> -> memref<4096xf32, #tpu.memory_space<hbm>>
      %dma_wait3A_19 = arith.constant 0 : i32
      %dma_wait3A_20 = tpu.memref_slice %arg6[%dma_wait3A_19] : memref<4112xf32, #tpu.memory_space<vmem>> -> memref<4096xf32, #tpu.memory_space<vmem>>
      tpu.wait_dma2 semaphore(%run_scoped3A : memref<!tpu.dma_semaphore, #tpu.memory_space<semaphore_mem>>) src(%dma_wait3A_20 : memref<4096xf32, #tpu.memory_space<vmem>>) dst(%dma_wait3A_18 : memref<4096xf32, #tpu.memory_space<hbm>>)
      tpu.yield
    }) : () -> ()
    %mul3A_9 = arith.constant 8 : i32
    %mul3A_10 = arith.muli %mul3A_2, %mul3A_9 : i32
    "tpu.region"() ({
      %run_scoped3A = tpu.sem_alloc : memref<!tpu.dma_semaphore, #tpu.memory_space<semaphore_mem>>
      %dma_start3A = arith.constant 0 : i32
      %dma_start3A_11 = tpu.memref_slice %arg7[%dma_start3A] : memref<4112xi32, #tpu.memory_space<vmem>> -> memref<4096xi32, #tpu.memory_space<vmem>>
      %dma_start3A_12 = tpu.memref_slice %arg4[%mul3A_10] : memref<131072xi32, #tpu.memory_space<hbm>> -> memref<4096xi32, #tpu.memory_space<hbm>>
      %dma_start3A_13 = tpu.memref_slice %arg4[%mul3A_10] : memref<131072xi32, #tpu.memory_space<hbm>> -> memref<4096xi32, #tpu.memory_space<hbm>>
      %dma_start3A_14 = arith.constant 0 : i32
      %dma_start3A_15 = tpu.memref_slice %arg7[%dma_start3A_14] : memref<4112xi32, #tpu.memory_space<vmem>> -> memref<4096xi32, #tpu.memory_space<vmem>>
      tpu.enqueue_dma source(%dma_start3A_15 : memref<4096xi32, #tpu.memory_space<vmem>>) target(%dma_start3A_13 : memref<4096xi32, #tpu.memory_space<hbm>>) target_semaphore(%run_scoped3A : memref<!tpu.dma_semaphore, #tpu.memory_space<semaphore_mem>>)
      %dma_wait3A = arith.constant 0 : i32
      %dma_wait3A_16 = tpu.memref_slice %arg7[%dma_wait3A] : memref<4112xi32, #tpu.memory_space<vmem>> -> memref<4096xi32, #tpu.memory_space<vmem>>
      %dma_wait3A_17 = tpu.memref_slice %arg4[%mul3A_10] : memref<131072xi32, #tpu.memory_space<hbm>> -> memref<4096xi32, #tpu.memory_space<hbm>>
      %dma_wait3A_18 = tpu.memref_slice %arg4[%mul3A_10] : memref<131072xi32, #tpu.memory_space<hbm>> -> memref<4096xi32, #tpu.memory_space<hbm>>
      %dma_wait3A_19 = arith.constant 0 : i32
      %dma_wait3A_20 = tpu.memref_slice %arg7[%dma_wait3A_19] : memref<4112xi32, #tpu.memory_space<vmem>> -> memref<4096xi32, #tpu.memory_space<vmem>>
      tpu.wait_dma2 semaphore(%run_scoped3A : memref<!tpu.dma_semaphore, #tpu.memory_space<semaphore_mem>>) src(%dma_wait3A_20 : memref<4096xi32, #tpu.memory_space<vmem>>) dst(%dma_wait3A_18 : memref<4096xi32, #tpu.memory_space<hbm>>)
      tpu.yield
    }) : () -> ()
    return
  }
}

module attributes {stable_mosaic.version = 14 : i64} {
  func.func @_logits_body(%arg0: i32, %arg1: memref<512x4096xf32, #tpu.memory_space<vmem>>, %arg2: memref<64x4096xf32, #tpu.memory_space<vmem>>, %arg3: memref<512x64xf32, #tpu.memory_space<vmem>>) attributes {dimension_semantics = [#tpu.dimension_semantics<arbitrary>], iteration_bounds = array<i64: 32>, scalar_prefetch = 0 : i64, scratch_operands = 0 : i64, tpu.core_type = #tpu.core_type<tc>, window_params = [{transform_indices = @transform_0, window_bounds = array<i64: 512, 4096>}, {pipeline_mode = #tpu.pipeline_mode<synchronous>, transform_indices = @transform_1, window_bounds = array<i64: 64, 4096>}, {transform_indices = @transform_2, window_bounds = array<i64: 512, 64>}]} {
    %get3A = arith.constant 0 : index
    %get3A_0 = arith.constant 0 : index
    %get3A_1 = vector.load %arg1[%get3A, %get3A_0] : memref<512x4096xf32, #tpu.memory_space<vmem>>, vector<512x4096xf32>
    %get3A_2 = arith.constant 0 : index
    %get3A_3 = arith.constant 0 : index
    %get3A_4 = vector.load %arg2[%get3A_2, %get3A_3] : memref<64x4096xf32, #tpu.memory_space<vmem>>, vector<64x4096xf32>
    %dot_general3A = arith.constant dense<0.000000e+00> : vector<512x64xf32>
    %dot_general3A_5 = tpu.matmul %get3A_1, %get3A_4, %dot_general3A {dimension_numbers = #tpu.dot_dimension_numbers<[1], [1], [0], [0], [0, 0, 1, 0], [], []>, transpose_lhs_hint = false} : vector<512x4096xf32>, vector<64x4096xf32>, vector<512x64xf32> -> vector<512x64xf32>
    %swap3A = arith.constant 0 : index
    %swap3A_6 = arith.constant 0 : index
    %swap3A_7 = vector.load %arg3[%swap3A, %swap3A_6] : memref<512x64xf32, #tpu.memory_space<vmem>>, vector<512x64xf32>
    tpu.vector_store %arg3[%swap3A, %swap3A_6], %dot_general3A_5 {strides = array<i32>} : memref<512x64xf32, #tpu.memory_space<vmem>>, vector<512x64xf32>,
    return
  }
  func.func @transform_0(%arg0: i32) -> (i32, i32) {
    %add3A = arith.constant 0 : i32
    %add3A_0 = arith.addi %add3A, %arg0 : i32
    %c0_i32 = arith.constant 0 : i32
    %c0_i32_1 = arith.constant 0 : i32
    return %add3A_0, %c0_i32 : i32, i32
  }
  func.func @transform_1(%arg0: i32) -> (i32, i32) {
    %c0_i32 = arith.constant 0 : i32
    %c0_i32_0 = arith.constant 0 : i32
    %c0_i32_1 = arith.constant 0 : i32
    return %c0_i32, %c0_i32_0 : i32, i32
  }
  func.func @transform_2(%arg0: i32) -> (i32, i32) {
    %c0_i32 = arith.constant 0 : i32
    %c0_i32_0 = arith.constant 0 : i32
    return %arg0, %c0_i32 : i32, i32
  }
}

</mosaic_0001>

<sc_bundles>
// kernel: kernel.4.cloned.1.call-start
scs
__scs_entry_jumppad:
0x0: {  	(pc) =	sbr.rel $0x88, $3  }
0x1: {  	(tag) =	ssettag $0x0;
	lr =	simm.s32 $0x1  }
0x2: {  	[smem:$0x3F9F] =	sst lr;
	_ =	strace $0xD0000000  }
0x3: {  	_ = 	snop  }
0x4: {  	_ = 	snop  }
0x5: {  	_ = 	snop  }
0x6: {  	_ = 	snop  }
0x7: {  	_ = 	snop  }
__scs_overlays_trampoline_lowered:
0x8: {  	[smem:$0x3FAE] =	sst s0  }
0x9: {  	[smem:$0x3FAF] =	sst s1  }
0xa: {  	[smem:$0x3FB0] =	sst s2  }
0xb: {  	[smem:$0x3FB1] =	sst s3  }
0xc: {  	[smem:$0x3FB2] =	sst s4  }
0xd: {  	[smem:$0x3FB3] =	sst s5  }
0xe: {  	[smem:$0x3FB4] =	sst s6  }
0xf: {  	[smem:$0x3FB5] =	sst s7  }
0x10: {  	[smem:$0x3FB6] =	sst s8  }
0x11: {  	[smem:$0x3FB7] =	sst s9;
	s0 =	simm.s32 @!p0 $0x0  }
0x12: {  	s1 =	sld [smem:$0x3F9D];
	s0 =	simm.s32 @p0 $0x1  }
0x13: {  	[smem:$0x3FB8] =	sst s0;
	s0 =	simm.s32 @!p1 $0x0  }
0x14: {  	s2 =	sld [smem:$0x3F9C];
	s0 =	simm.s32 @p1 $0x1  }
0x15: {  	[smem:$0x3FB9] =	sst s0;
	s0 =	simm.s32 @!p2 $0x0  }
0x16: {  	s3 =	sld [smem:$0x3FDB];
	s0 =	simm.s32 @p2 $0x1  }
0x17: {  	s4 =	simm.s32 $0x1BF5;
	[smem:$0x3FBB] =	sst s0  }
0x18: {  	s0 =	sld [smem:$0x3F9E];
	_ =	swait.ge [sflag:s4], $0x0  }
0x19: {  	s7 =	sld [smem:$0x3F9F]  }
0x1a: {  	s8 =	sadd.s32 $0xFFFFE003, lr  }
0x1b: {  	s9 =	sadd.s32 $0xFFFFFEF7, lr;
	s5 =	simm.s32 $0xFFFFFFFF;
	p2 =	slt.u32 s8, $0xFFFFF086  }
0x1c: {  	p1 =	slt.u32 s9, $0xF7A;
	s5 =	simm.s32 @!p2 $0x0  }
0x1d: {  	s5 =	simm.s32 @p1 $0x1;
	p0 =	seq.s32 s7, s2  }
0x1e: {  	s7 =	smul.u32 @!p0 $0xF7A, s2;
	p2 =	seq.s32 @!p0 s5, $0x0  }
0x1f: {  	s9 =	smul.u32 $0xF7A, s1;
	s8 =	simm.s32 @!p0 $0x1BF5;
	p2 =	por !p2, p0  }
0x20: {  	[sflag:s8] =	ssyncset.s32 @!p0 $0xFFFFF086;
	s6 =	sadd.s32 @!p0 s3, s7;
	s7 =	simm.s32 @!p0 $0x108  }
0x21: {  	s3 =	sadd.s32 s3, s9;
	s6 =	sadd.s32 @!p0 $0x88, s6;
	s7 =	simm.s32 @p2 $0x1082  }
0x22: {  	[simem:s7], [sflag:s8] =	dma.local @!p0 [hbm:s6], $0xF7A  }
0x23: {  	s9 =	sor.u32 $0xD0000000, s2;
	s6 =	simm.s32 $0x108;
	_ =	swait.ge @!p0 [sflag:s8], $0x0  }
0x24: {  	s3 =	sadd.s32 $0x88, s3;
	s6 =	simm.s32 @!p1 $0x1082;
	[sflag:s4] =	ssyncset.s32 $0xFFFFF086  }
0x25: {  	[simem:s6], [sflag:s4] =	dma.local [hbm:s3], $0xF7A  }
0x26: {  	[smem:$0x3F9F] =	sst s1;
	(tag) =	ssettag s2;
	_ =	strace s9  }
0x27: {  	s1 =	sld [smem:$0x3FAF]  }
0x28: {  	s2 =	sld [smem:$0x3FB0]  }
0x29: {  	s4 =	sld [smem:$0x3FB2]  }
0x2a: {  	p0 =	seq.s32 s5, $0x0;
	s5 =	sld [smem:$0x3FB3]  }
0x2b: {  	s6 =	sld [smem:$0x3FB4]  }
0x2c: {  	s7 =	sld [smem:$0x3FB5]  }
0x2d: {  	s3 =	simm.s32 $0x108;
	s8 =	sld [smem:$0x3FB6]  }
0x2e: {  	s3 =	simm.s32 @!p0 $0x1082;
	s9 =	sld [smem:$0x3FB7]  }
0x2f: {  	lr =	sadd.s32 s0, s3;
	s0 =	sld [smem:$0x3FAE]  }
0x30: {  	s3 =	sld [smem:$0x3FB1]  }
0x31: {  	[smem:$0x3FBA] =	sst s10  }
0x32: {  	s10 =	sld [smem:$0x3FB8];
	_ =	sdelay $0x3  }
0x33: {  	p0 =	seq.s32 s10, $0x1;
	s10 =	sld [smem:$0x3FBA];
	_ =	sdelay $0x3  }
0x34: {  	[smem:$0x3FBA] =	sst s10  }
0x35: {  	s10 =	sld [smem:$0x3FB9];
	_ =	sdelay $0x3  }
0x36: {  	p1 =	seq.s32 s10, $0x1;
	s10 =	sld [smem:$0x3FBA];
	_ =	sdelay $0x3  }
0x37: {  	[smem:$0x3FBA] =	sst s10  }
0x38: {  	s10 =	sld [smem:$0x3FBB]  }
0x39: {  	_ = 	snop;
	(pc) =	sbr.ind lr, $3  }
0x3a: {  	_ = 	snop  }
0x3b: {  	_ = 	snop  }
0x3c: {  	p2 =	seq.s32 s10, $0x1;
	s10 =	sld [smem:$0x3FBA]  }
0x3d: {  	_ =	shalt  }
0x3e: {  	_ =	shalt  }
0x3f: {  	_ =	shalt  }
0x40: {  	_ =	shalt  }
0x41: {  	_ =	shalt  }
0x42: {  	_ =	shalt  }
0x43: {  	_ =	shalt  }
0x44: {  	_ =	shalt  }
0x45: {  	_ =	shalt  }
0x46: {  	_ =	shalt  }
0x47: {  	_ =	shalt  }
0x48: {  	_ =	shalt  }
0x49: {  	_ =	shalt  }
0x4a: {  	_ =	shalt  }
0x4b: {  	_ =	shalt  }
0x4c: {  	_ =	shalt  }
0x4d: {  	_ =	shalt  }
0x4e: {  	_ =	shalt  }
0x4f: {  	_ =	shalt  }
0x50: {  	_ =	shalt  }
0x51: {  	_ =	shalt  }
0x52: {  	_ =	shalt  }
0x53: {  	_ =	shalt  }
0x54: {  	_ =	shalt  }
0x55: {  	_ =	shalt  }
0x56: {  	_ =	shalt  }
0x57: {  	_ =	shalt  }
0x58: {  	_ =	shalt  }
0x59: {  	_ =	shalt  }
0x5a: {  	_ =	shalt  }
0x5b: {  	_ =	shalt  }
0x5c: {  	_ =	shalt  }
0x5d: {  	_ =	shalt  }
0x5e: {  	_ =	shalt  }
0x5f: {  	_ =	shalt  }
0x60: {  	_ =	shalt  }
0x61: {  	_ =	shalt  }
0x62: {  	_ =	shalt  }
0x63: {  	_ =	shalt  }
0x64: {  	_ =	shalt  }
0x65: {  	_ =	shalt  }
0x66: {  	_ =	shalt  }
0x67: {  	_ =	shalt  }
0x68: {  	_ =	shalt  }
0x69: {  	_ =	shalt  }
0x6a: {  	_ =	shalt  }
0x6b: {  	_ =	shalt  }
0x6c: {  	_ =	shalt  }
0x6d: {  	_ =	shalt  }
0x6e: {  	_ =	shalt  }
0x6f: {  	_ =	shalt  }
0x70: {  	_ =	shalt  }
0x71: {  	_ =	shalt  }
0x72: {  	_ =	shalt  }
0x73: {  	_ =	shalt  }
0x74: {  	_ =	shalt  }
0x75: {  	_ =	shalt  }
0x76: {  	_ =	shalt  }
0x77: {  	_ =	shalt  }
0x78: {  	_ =	shalt  }
0x79: {  	_ =	shalt  }
0x7a: {  	_ =	shalt  }
0x7b: {  	_ =	shalt  }
0x7c: {  	_ =	shalt  }
0x7d: {  	_ =	shalt  }
0x7e: {  	_ =	shalt  }
0x7f: {  	_ =	shalt  }
0x80: {  	_ =	shalt  }
0x81: {  	_ =	shalt  }
0x82: {  	_ =	shalt  }
0x83: {  	_ =	shalt  }
0x84: {  	_ =	shalt  }
0x85: {  	_ =	shalt  }
0x86: {  	_ =	shalt  }
0x87: {  	_ =	shalt  }
.Lfunc_end0:
.L_simem_size_0:
called_computation_lowered:
.L_overlay_start_0:
0x88: {  	s2 =	sld [smem:$0x3FD9]  }
0x89: {  	s3 =	sld [smem:$0x3FFE];
	_ =	sdelay $0x1  }
0x8a: {  	s1 =	srdreg.scid  }
0x8b: {  	s0 =	sand.u32 $0x1, s1  }
0x8c: {  	s14 =	sshll.u32 s0, $0xA;
	s2 =	sadd.s32 s3, s2  }
0x8d: {  	s2 =	sadd.s32 s2, s14  }
0x8e: {  	[smem:$0x3FC6] =	sst s2  }
0x8f: {  	_ = 	snop  }
0x90: {  	s2 =	sld [smem:$0x3FD0];
	_ =	sdelay $0x2  }
0x91: {  	s15 =	simm.s32 $0xA;
	s4 =	simm.s32 $0x10  }
0x92: {  	[smem:s4], [sflag:s15] =	dma.local [hbm:s2], $0x1  }
0x93: {  	_ =	swait.eq [sflag:s15], $0x1  }
0x94: {  	[sflag:s15] =	ssyncset.done $0x0  }
0x95: {  	[sflag:s15] =	ssyncadd.s32 $0xFFFFFFFF  }
0x96: {  	s16 =	sld [smem:$0x12];
	(tm) =	ssettm $0x1  }
0x97: {  	s17 =	sld [smem:$0x3FFB];
	_ =	sdelay $0x3  }
0x98: {  	_ =	strace s17  }
0x99: {  	s3 =	sld [smem:$0x3FFC];
	_ =	sdelay $0x3  }
0x9a: {  	_ =	strace s3  }
0x9b: {  	s3 =	sld [smem:$0x3FFD];
	_ =	sdelay $0x3  }
0x9c: {  	_ =	strace s3  }
0x9d: {  	_ =	strace $0x8FFFFFFF  }
0x9e: {  	s18 =	sld [smem:$0x3FDB];
	_ =	sdelay $0x1  }
0x9f: {  	s19 =	simm.s32 $_scs_section_size  }
0xa0: {  	s5 =	simm.s32 $_size__tile_overlayer_lowered;
	s6 =	simm.s32 $_tile_overlayer_lowered  }
0xa1: {  	s22 =	simm.s32 $0x1BFF;
	s21 =	sshll.u32 s6, $0x1;
	s3 =	sadd.s32 s19, s18  }
0xa2: {  	s7 =	simm.s32 $0x0;
	s20 =	sshll.u32 s5, $0x1;
	s5 =	sadd.s32 s21, s3  }
0xa3: {  	[timem:s7], [sflag:s22] =	dma.local [hbm:s5], s20  }
0xa4: {  	_ =	swait.ge [sflag:s22], s20  }
0xa5: {  	s4 =	ssub.s32 $0x0, s20;
	[sflag:s22] =	ssyncset.done $0x0  }
0xa6: {  	[sflag:s22] =	ssyncadd.s32 s4;
	_ =	sdelay $0x1  }
0xa7: {  	s23 =	simm.s32 $0x1B8B  }
0xa8: {  	_ =	swait.ge [sflag:s23], $0x1  }
0xa9: {  	[sflag:s23] =	ssyncset.done $0x0  }
0xaa: {  	s25 =	simm.s32 $0x1B8E;
	s24 =	sld [smem:$0x3FFE];
	[sflag:s23] =	ssyncadd.s32 $0xFFFFFFFF  }
0xab: {  	s26 =	simm.s32 $execute0_lowered;
	[smem:$0x3FD2] =	sst s25  }
0xac: {  	s5 =	sshll.u32 s26, $0x1;
	_ =	strace $0x80000046;
	[dreg:$0x1] =	wrdreg $0xFFFFFFFF  }
0xad: {  	s28 =	simm.s32 $_size_execute0_lowered;
	s3 =	sadd.s32 s3, s5;
	[dreg:$0x0] =	wrdreg $0x0  }
0xae: {  	s5 =	sshll.u32 s28, $0x1;
	[dreg:$0x2] =	wrdreg s3  }
0xaf: {  	[dreg:$0x3] =	wrdreg s5  }
0xb0: {  	[dreg:$0x4] =	wrdreg $0xC0  }
0xb1: {  	_ =	task [dreg:s7], $0x5FFFF  }
0xb2: {  	[dreg:$0x1] =	wrdreg $0xFFFFFFFF  }
0xb3: {  	[dreg:$0x0] =	wrdreg $0x60  }
0xb4: {  	[dreg:$0x2] =	wrdreg s24  }
0xb5: {  	[dreg:$0x3] =	wrdreg s16  }
0xb6: {  	[dreg:$0x4] =	wrdreg $0x9  }
0xb7: {  	_ =	task.clear_ibuf [dreg:s7], $0x5FFFF;
	_ =	strace $0x90000046  }
0xb8: {  	s29 =	simm.s32 $0x9;
	_ =	strace $0x80000048  }
0xb9: {  	_ =	swait.ge [sflag:s29], $0x1  }
0xba: {  	[sflag:s29] =	ssyncadd.s32 $0xFFFFFFFF  }
0xbb: {  	_ =	strace $0x90000048  }
0xbc: {  	_ =	sfence  }
0xbd: {  	s30 =	sld [smem:$0x0];
	_ =	sdelay $0x2  }
0xbe: {  	s31 =	sshll.u32 s1, $0xD;
	s1 =	sshrl.u32 s1, $0x2  }
0xbf: {  	s3 =	sand.u32 $0x4000, s31;
	s1 =	sadd.s32 s1, s30  }
0xc0: {  	s0 =	sor.u32 s3, s0;
	s1 =	sshll.u32 s1, $0x11  }
0xc1: {  	s0 =	sor.u32 s1, s0  }
0xc2: {  	s0 =	sadd.s32 $0x8F2B, s0  }
0xc3: {  	[sflag:s0] =	ssyncadd.remote.s32 $0x1  }
0xc4: {  	_ =	sfence.sel $0xFFFF  }
0xc5: {  	[dreg:$0x0] =	wrdreg $0xFFFFFFFF;
	(pc) =	sbr.abs _section_cstart, $3  }
0xc6: {  	[dreg:$0x1] =	wrdreg $0xFFFFFFFF  }
0xc7: {  	_ =	task.clear_ibuf [dreg:s7], $0x2FFFF;
	_ =	strace $0x9FFFFFFF  }
0xc8: {  	(tm) =	ssettm $0x7FFFFFFF  }
0xc9: {  	_ =	shalt  }
tec
execute0_lowered:
.L_overlay_start_1:
0x0: {  	(tag) =	ssettag $0x1  }
0x1: {  	s3 =	rddreg [dreg:$0x0]  }
0x2: {  	s4 =	rddreg [dreg:$0x1]  }
0x3: {  	s0 =	rddreg [dreg:$0x2]  }
0x4: {  	s5 =	srdreg.scid;
	s1 =	stileid.u32  }
0x5: {  	s2 =	simm.s32 $0x0;
	s5 =	sand.u32 $0x1, s5;
	s6 =	sshll.u32 s1, $0x1  }
0x6: {  	s10 =	simm.s32 $0x0;
	[smem:$0x7FF] =	sst s2;
	s6 =	sor.u32 s5, s6  }
0x7: {  	_ =	strace $0x80000047;
	s5 =	ssub.s32 $0x2, s5;
	s7 =	sshll.u32 s6, $0xD  }
0x8: {  	s6 =	sshll.u32 s6, $0x9;
	s31 =	sshrl.u32 s5, $0x1;
	s7 =	sadd.s32 s7, s3  }
0x9: {  	s8 =	sadd.s32 s6, s3;
	s9 =	ssub.s32 s5, s31;
	s4 =	sadd.s32 s4, s6  }
0xa: {  	v0 =	vlaneseq.u32;
	vm0 =	vmmov $0xff;
	s3 =	sadd.s32 $0x1000, s7;
	s5 =	sadd.s32 $0x41000, s8;
	s6 =	smax.u32 s9, $0x1  }
0xb: {  	v1 =	vor.u32 $0x10, v0;
	v2 =	vor.u32 $0x20, v0;
	v3 =	vor.u32 $0x30, v0;
	s7 =	simm.s32 $0x1;
	s8 =	simm.s32 $0x10000;
	s9 =	simm.s32 $0x11080  }
.LBB2_1:
0xc: {  	[tilespmem:s2], [sflag:$0x1] =	stream.linear.gather [hbm4b:s3+s2], $0x10000, $0x38;
	[tilespmem:$0x12100] =	vst v63  }
0xd: {  	_ =	swait.ge [sflag:s7], $0x10000  }
0xe: {  	[sflag:s7] =	ssyncset.done $0x0  }
0xf: {  	s26 =	simm.s32 $0x100;
	[sflag:s7] =	ssyncadd.s32 $0xFFFF0000  }
0x10: {  	v4 =	vld [tilespmem:s26+$0xFFFFFF00]  }
0x11: {  	v5 =	vld [tilespmem:s26+$0xFFFFFF10]  }
0x12: {  	v6 =	vld [tilespmem:s26+$0xFFFFFF20]  }
0x13: {  	v7 =	vld [tilespmem:s26+$0xFFFFFF30];
	_ =	sdelay $0x1  }
0x14: {  	(xrf1) =	vsort.dscd.msk.f32 $0xffff, v4, v0  }
0x15: {  	(xrf1) =	vsort.ascd.msk.f32 $0xffff, v5, v1  }
0x16: {  	(xrf1) =	vsort.dscd.msk.f32 $0xffff, v6, v2  }
0x17: {  	(xrf1) =	vsort.ascd.msk.f32 $0xffff, v7, v3;
	_ =	sdelay $0xa  }
0x18: {  	v4, v5, _ =	vpop (xrf1)  }
0x19: {  	v6, v7, _ =	vpop (xrf1)  }
0x1a: {  	v8, v9, _ =	vpop (xrf1)  }
0x1b: {  	vm1 =	vge.f32 v4, v6;
	v10, v11, _ =	vpop (xrf1)  }
0x1c: {  	v4 =	vsel vm1, v4, v6;
	v5 =	vsel vm1, v5, v7;
	vm1 =	vge.f32 v8, v10  }
0x1d: {  	(xrf1) =	vsort.dscd.msk.f32 $0xffff, v4, v5;
	v4 =	vsel vm1, v8, v10;
	v5 =	vsel vm1, v9, v11  }
0x1e: {  	(xrf1) =	vsort.ascd.msk.f32 $0xffff, v4, v5;
	_ =	sdelay $0xc  }
0x1f: {  	v4, v5, _ =	vpop (xrf1)  }
0x20: {  	v6, v7, _ =	vpop (xrf1)  }
0x21: {  	vm1 =	vge.f32 v4, v6  }
0x22: {  	v4 =	vsel vm1, v4, v6;
	v5 =	vsel vm1, v5, v7  }
0x23: {  	(xrf1) =	vsort.dscd.msk.f32 $0xffff, v4, v5;
	_ =	sdelay $0x9  }
0x24: {  	s25 =	simm.s32 $0x300  }
0x25: {  	v4 =	vld [tilespmem:s25+$0xFFFFFF00]  }
0x26: {  	v5 =	vld [tilespmem:s25+$0xFFFFFF10]  }
0x27: {  	v6 =	vld [tilespmem:s25+$0xFFFFFF20]  }
0x28: {  	v9 =	vld [tilespmem:s25+$0xFFFFFF30];
	v7, v8, _ =	vpop (xrf1)  }
0x29: {  	(xrf0) =	vmax.scan.msk.f32 $0xffff, v7  }
0x2a: {  	(xrf1) =	vsort.dscd.msk.f32 $0xffff, v4, v0  }
0x2b: {  	(xrf1) =	vsort.ascd.msk.f32 $0xffff, v5, v1  }
0x2c: {  	(xrf1) =	vsort.dscd.msk.f32 $0xffff, v6, v2  }
0x2d: {  	(xrf1) =	vsort.ascd.msk.f32 $0xffff, v9, v3;
	_ =	sdelay $0x1  }
0x2e: {  	v4, _, _ =	vpop (xrf0)  }
0x2f: {  	v4 =	vbroadcast v4, $0xF;
	_ =	sdelay $0x1  }
0x30: {  	v4 =	vsub.f32 v7, v4;
	_ =	sdelay $0x1  }
0x31: {  	v4 =	vmul.f32 $1.442695020e+00, v4;
	_ =	sdelay $0x3  }
0x32: {  	(erf) = vpow2.f32 v4;
	v4, v5, _ =	vpop (xrf1)  }
0x33: {  	v6, v7, _ =	vpop (xrf1)  }
0x34: {  	v9, v10, _ =	vpop (xrf1)  }
0x35: {  	vm1 =	vge.f32 v4, v6;
	v11, v12, _ =	vpop (xrf1)  }
0x36: {  	v4 =	vsel vm1, v4, v6;
	v5 =	vsel vm1, v5, v7;
	vm1 =	vge.f32 v9, v11  }
0x37: {  	(xrf1) =	vsort.dscd.msk.f32 $0xffff, v4, v5;
	v4 =	vsel vm1, v9, v11;
	v5 =	vsel vm1, v10, v12  }
0x38: {  	(xrf1) =	vsort.ascd.msk.f32 $0xffff, v4, v5;
	_ =	sdelay $0x2  }
0x39: {  	v4 =	vpop (erf)  }
0x3a: {  	v4 =	vnsel vm0, $0x0, v4  }
0x3b: {  	(xrf2) =	vadd.scan.msk.f32 $0xffff, v4;
	_ =	sdelay $0x7  }
0x3c: {  	v5, v6, _ =	vpop (xrf1)  }
0x3d: {  	v9, v10, _ =	vpop (xrf1)  }
0x3e: {  	v7, _, _ =	vpop (xrf2);
	vm1 =	vge.f32 v5, v9  }
0x3f: {  	v7 =	vbroadcast v7, $0xF;
	v5 =	vsel vm1, v5, v9;
	v6 =	vsel vm1, v6, v10  }
0x40: {  	(xrf1) =	vsort.dscd.msk.f32 $0xffff, v5, v6  }
0x41: {  	(erf) = vrcp.f32 v7;
	_ =	sdelay $0x4  }
0x42: {  	s23 =	simm.s32 $0x500  }
0x43: {  	v5 =	vld [tilespmem:s23+$0xFFFFFF00]  }
0x44: {  	v6 =	vld [tilespmem:s23+$0xFFFFFF10]  }
0x45: {  	v9 =	vld [tilespmem:s23+$0xFFFFFF20]  }
0x46: {  	v7 =	vpop (erf)  }
0x47: {  	v4 =	vmul.f32 v7, v4;
	v7 =	vld [tilespmem:s23+$0xFFFFFF30]  }
0x48: {  	(xrf1) =	vsort.dscd.msk.f32 $0xffff, v5, v0  }
0x49: {  	s12 =	simm.s32 $0x10010;
	(xrf1) =	vsort.ascd.msk.f32 $0xffff, v6, v1  }
0x4a: {  	s11 =	simm.s32 $0x11090;
	(xrf1) =	vsort.dscd.msk.f32 $0xffff, v9, v2;
	[tilespmem:s12+$0xFFFFFFF0] =	vst.msk $0xff, v4;
	v5, v6, _ =	vpop (xrf1)  }
0x4b: {  	[tilespmem:s11+$0xFFFFFFF0] =	vst.msk $0xff, v8;
	(xrf0) =	vmax.scan.msk.f32 $0xffff, v5  }
0x4c: {  	v4 =	vld [tilespmem:s26+$0xFFFFFF80];
	(xrf1) =	vsort.ascd.msk.f32 $0xffff, v7, v3;
	_ =	sdelay $0x1  }
0x4d: {  	v7 =	vld [tilespmem:s26+$0xFFFFFF90]  }
0x4e: {  	v8 =	vld [tilespmem:s26+$0xFFFFFFA0]  }
0x4f: {  	v9 =	vld [tilespmem:s26+$0xFFFFFFB0]  }
0x50: {  	(xrf1) =	vsort.dscd.msk.f32 $0xffff, v4, v0;
	v4, _, _ =	vpop (xrf0)  }
0x51: {  	v4 =	vbroadcast v4, $0xF  }
0x52: {  	(xrf1) =	vsort.ascd.msk.f32 $0xffff, v7, v1  }
0x53: {  	(xrf1) =	vsort.dscd.msk.f32 $0xffff, v8, v2;
	v4 =	vsub.f32 v5, v4  }
0x54: {  	(xrf1) =	vsort.ascd.msk.f32 $0xffff, v9, v3  }
0x55: {  	v4 =	vmul.f32 $1.442695020e+00, v4  }
0x56: {  	v5, v7, _ =	vpop (xrf1)  }
0x57: {  	v8, v9, _ =	vpop (xrf1)  }
0x58: {  	v10, v11, _ =	vpop (xrf1)  }
0x59: {  	vm1 =	vge.f32 v5, v8;
	(erf) = vpow2.f32 v4;
	v4, v12, _ =	vpop (xrf1)  }
0x5a: {  	v5 =	vsel vm1, v5, v8;
	v7 =	vsel vm1, v7, v9;
	vm1 =	vge.f32 v10, v4  }
0x5b: {  	(xrf1) =	vsort.dscd.msk.f32 $0xffff, v5, v7;
	v4 =	vsel vm1, v10, v4;
	v5 =	vsel vm1, v11, v12  }
0x5c: {  	(xrf1) =	vsort.ascd.msk.f32 $0xffff, v4, v5;
	_ =	sdelay $0x2  }
0x5d: {  	v4, v5, _ =	vpop (xrf1)  }
0x5e: {  	v7, v8, _ =	vpop (xrf1)  }
0x5f: {  	v9, v10, _ =	vpop (xrf1)  }
0x60: {  	vm1 =	vge.f32 v4, v7;
	v11, v12, _ =	vpop (xrf1)  }
0x61: {  	v4 =	vsel vm1, v4, v7;
	v5 =	vsel vm1, v5, v8;
	v7 =	vpop (erf)  }
0x62: {  	vm1 =	vge.f32 v9, v11;
	(xrf1) =	vsort.dscd.msk.f32 $0xffff, v4, v5;
	v4 =	vnsel vm0, $0x0, v7  }
0x63: {  	v8 =	vsel vm1, v9, v11;
	v9 =	vsel vm1, v10, v12;
	(xrf2) =	vadd.scan.msk.f32 $0xffff, v4  }
0x64: {  	(xrf1) =	vsort.ascd.msk.f32 $0xffff, v8, v9;
	_ =	sdelay $0x2  }
0x65: {  	v5, v7, _ =	vpop (xrf1)  }
0x66: {  	v8, v9, _ =	vpop (xrf1)  }
0x67: {  	vm1 =	vge.f32 v5, v8  }
0x68: {  	v5 =	vsel vm1, v5, v8;
	_ =	sdelay $0x1  }
0x69: {  	v7 =	vsel vm1, v7, v9  }
0x6a: {  	(xrf1) =	vsort.dscd.msk.f32 $0xffff, v5, v7;
	v5, _, _ =	vpop (xrf2)  }
0x6b: {  	v5 =	vbroadcast v5, $0xF;
	_ =	sdelay $0x2  }
0x6c: {  	v7, v8, _ =	vpop (xrf1)  }
0x6d: {  	(erf) = vrcp.f32 v5;
	v5, v9, _ =	vpop (xrf1)  }
0x6e: {  	vm1 =	vge.f32 v7, v5  }
0x6f: {  	v5 =	vsel vm1, v7, v5;
	v7 =	vsel vm1, v8, v9  }
0x70: {  	(xrf1) =	vsort.dscd.msk.f32 $0xffff, v5, v7;
	_ =	sdelay $0x3  }
0x71: {  	s20 =	simm.s32 $0x700  }
0x72: {  	v5 =	vld [tilespmem:s20+$0xFFFFFF00]  }
0x73: {  	v7 =	vld [tilespmem:s20+$0xFFFFFF10]  }
0x74: {  	v9 =	vld [tilespmem:s20+$0xFFFFFF20];
	v8 =	vpop (erf)  }
0x75: {  	v12 =	vld [tilespmem:s20+$0xFFFFFF30];
	v10, v11, _ =	vpop (xrf1)  }
0x76: {  	v4 =	vmul.f32 v8, v4;
	(xrf0) =	vmax.scan.msk.f32 $0xffff, v10  }
0x77: {  	s13 =	simm.s32 $0x10030;
	(xrf1) =	vsort.dscd.msk.f32 $0xffff, v5, v0  }
0x78: {  	s14 =	simm.s32 $0x110B0;
	(xrf1) =	vsort.ascd.msk.f32 $0xffff, v7, v1;
	[tilespmem:s13+$0xFFFFFFF0] =	vst.msk $0xff, v4  }
0x79: {  	(xrf1) =	vsort.dscd.msk.f32 $0xffff, v9, v2;
	[tilespmem:s14+$0xFFFFFFF0] =	vst.msk $0xff, v6  }
0x7a: {  	(xrf1) =	vsort.ascd.msk.f32 $0xffff, v12, v3;
	v4 =	vld [tilespmem:s25+$0xFFFFFF80]  }
0x7b: {  	v5, v6, _ =	vpop (xrf1)  }
0x7c: {  	v9, _, _ =	vpop (xrf0);
	(xrf0) =	vmax.scan.msk.f32 $0xffff, v5  }
0x7d: {  	v7 =	vld [tilespmem:s25+$0xFFFFFF90];
	v9 =	vbroadcast v9, $0xF;
	_ =	sdelay $0x1  }
0x7e: {  	v8 =	vld [tilespmem:s25+$0xFFFFFFA0];
	(xrf1) =	vsort.dscd.msk.f32 $0xffff, v4, v0;
	v4 =	vsub.f32 v10, v9  }
0x7f: {  	v12 =	vld [tilespmem:s25+$0xFFFFFFB0]  }
0x80: {  	v4 =	vmul.f32 $1.442695020e+00, v4  }
0x81: {  	(xrf1) =	vsort.ascd.msk.f32 $0xffff, v7, v1;
	v7, _, _ =	vpop (xrf0)  }
0x82: {  	v7 =	vbroadcast v7, $0xF  }
0x83: {  	(xrf1) =	vsort.dscd.msk.f32 $0xffff, v8, v2  }
0x84: {  	(xrf1) =	vsort.ascd.msk.f32 $0xffff, v12, v3;
	(erf) = vpow2.f32 v4;
	v4, v8, _ =	vpop (xrf1)  }
0x85: {  	v9, v10, _ =	vpop (xrf1)  }
0x86: {  	v5 =	vsub.f32 v5, v7;
	v7, v12, _ =	vpop (xrf1)  }
0x87: {  	vm1 =	vge.f32 v4, v9;
	v13, v14, _ =	vpop (xrf1)  }
0x88: {  	v4 =	vsel vm1, v4, v9;
	v8 =	vsel vm1, v8, v10;
	vm1 =	vge.f32 v7, v13  }
0x89: {  	(xrf1) =	vsort.dscd.msk.f32 $0xffff, v4, v8;
	v5 =	vmul.f32 $1.442695020e+00, v5;
	v4 =	vsel vm1, v7, v13;
	v7 =	vsel vm1, v12, v14  }
0x8a: {  	(xrf1) =	vsort.ascd.msk.f32 $0xffff, v4, v7  }
0x8b: {  	(erf) = vpow2.f32 v5;
	_ =	sdelay $0x2  }
0x8c: {  	v4, v5, _ =	vpop (xrf1)  }
0x8d: {  	v7 =	vpop (erf)  }
0x8e: {  	v8, v9, _ =	vpop (xrf1)  }
0x8f: {  	v10, v12, _ =	vpop (xrf1)  }
0x90: {  	v7 =	vnsel vm0, $0x0, v7;
	vm1 =	vge.f32 v4, v8;
	v13, v14, _ =	vpop (xrf1)  }
0x91: {  	(xrf2) =	vadd.scan.msk.f32 $0xffff, v7;
	v4 =	vsel vm1, v4, v8;
	v5 =	vsel vm1, v5, v9;
	vm1 =	vge.f32 v10, v13  }
0x92: {  	(xrf1) =	vsort.dscd.msk.f32 $0xffff, v4, v5;
	v8 =	vpop (erf);
	v9 =	vsel vm1, v10, v13;
	v10 =	vsel vm1, v12, v14  }
0x93: {  	(xrf1) =	vsort.ascd.msk.f32 $0xffff, v9, v10;
	v4 =	vnsel vm0, $0x0, v8  }
0x94: {  	(xrf2) =	vadd.scan.msk.f32 $0xffff, v4  }
0x95: {  	v5, v8, _ =	vpop (xrf1)  }
0x96: {  	v9, v10, _ =	vpop (xrf1)  }
0x97: {  	vm1 =	vge.f32 v5, v9  }
0x98: {  	v5 =	vsel vm1, v5, v9;
	_ =	sdelay $0x1  }
0x99: {  	v8 =	vsel vm1, v8, v10  }
0x9a: {  	(xrf1) =	vsort.dscd.msk.f32 $0xffff, v5, v8;
	v5, _, _ =	vpop (xrf2)  }
0x9b: {  	v5 =	vbroadcast v5, $0xF;
	_ =	sdelay $0x1  }
0x9c: {  	v8, _, _ =	vpop (xrf2);
	(erf) = vrcp.f32 v5  }
0x9d: {  	v5 =	vbroadcast v8, $0xF  }
0x9e: {  	v8, v9, _ =	vpop (xrf1)  }
0x9f: {  	v10, v12, _ =	vpop (xrf1);
	(erf) = vrcp.f32 v5  }
0xa0: {  	vm1 =	vge.f32 v8, v10  }
0xa1: {  	v5 =	vsel vm1, v8, v10;
	v8 =	vsel vm1, v9, v12  }
0xa2: {  	(xrf1) =	vsort.dscd.msk.f32 $0xffff, v5, v8;
	_ =	sdelay $0x1  }
0xa3: {  	s19 =	simm.s32 $0x900  }
0xa4: {  	v8 =	vld [tilespmem:s19+$0xFFFFFF00];
	v5 =	vpop (erf)  }
0xa5: {  	v9 =	vld [tilespmem:s19+$0xFFFFFF10];
	v5 =	vmul.f32 v5, v7  }
0xa6: {  	s15 =	simm.s32 $0x10050;
	v10, v12, _ =	vpop (xrf1);
	v7 =	vld [tilespmem:s19+$0xFFFFFF20]  }
0xa7: {  	(xrf0) =	vmax.scan.msk.f32 $0xffff, v10;
	v13 =	vpop (erf);
	[tilespmem:s15+$0xFFFFFFF0] =	vst.msk $0xff, v5;
	v5 =	vld [tilespmem:s19+$0xFFFFFF30]  }
0xa8: {  	s16 =	simm.s32 $0x110D0;
	v4 =	vmul.f32 v13, v4  }
0xa9: {  	(xrf1) =	vsort.dscd.msk.f32 $0xffff, v8, v0;
	[tilespmem:s16+$0xFFFFFFF0] =	vst.msk $0xff, v11  }
0xaa: {  	(xrf1) =	vsort.ascd.msk.f32 $0xffff, v9, v1;
	v8 =	vld [tilespmem:s23+$0xFFFFFF80];
	[tilespmem:s12+$0xFFFFFFF8] =	vst.msk $0xff, v4  }
0xab: {  	[tilespmem:s11+$0xFFFFFFF8] =	vst.msk $0xff, v6;
	(xrf1) =	vsort.dscd.msk.f32 $0xffff, v7, v2  }
0xac: {  	v4 =	vld [tilespmem:s26+$0x0];
	(xrf1) =	vsort.ascd.msk.f32 $0xffff, v5, v3  }
0xad: {  	v6, _, _ =	vpop (xrf0);
	v5 =	vld [tilespmem:s26+$0x10]  }
0xae: {  	v7 =	vld [tilespmem:s26+$0x20];
	v6 =	vbroadcast v6, $0xF  }
0xaf: {  	v11 =	vld [tilespmem:s26+$0x30];
	(xrf1) =	vsort.dscd.msk.f32 $0xffff, v8, v0;
	v8, v9, _ =	vpop (xrf1)  }
0xb0: {  	v13 =	vld [tilespmem:s23+$0xFFFFFF90];
	v6 =	vsub.f32 v10, v6;
	(xrf0) =	vmax.scan.msk.f32 $0xffff, v8  }
0xb1: {  	(xrf1) =	vsort.dscd.msk.f32 $0xffff, v4, v0;
	v4 =	vld [tilespmem:s23+$0xFFFFFFA0]  }
0xb2: {  	v6 =	vmul.f32 $1.442695020e+00, v6;
	(xrf1) =	vsort.ascd.msk.f32 $0xffff, v5, v1;
	v5 =	vld [tilespmem:s23+$0xFFFFFFB0]  }
0xb3: {  	(xrf1) =	vsort.dscd.msk.f32 $0xffff, v7, v2  }
0xb4: {  	(xrf1) =	vsort.ascd.msk.f32 $0xffff, v11, v3  }
0xb5: {  	(xrf1) =	vsort.ascd.msk.f32 $0xffff, v13, v1  }
0xb6: {  	(xrf1) =	vsort.dscd.msk.f32 $0xffff, v4, v2;
	v4, _, _ =	vpop (xrf0)  }
0xb7: {  	(erf) = vpow2.f32 v6;
	(xrf1) =	vsort.ascd.msk.f32 $0xffff, v5, v3;
	v5, v6, _ =	vpop (xrf1)  }
0xb8: {  	v4 =	vbroadcast v4, $0xF;
	v7, v10, _ =	vpop (xrf1)  }
0xb9: {  	v11, v13, _ =	vpop (xrf1)  }
0xba: {  	vm1 =	vge.f32 v5, v7;
	v4 =	vsub.f32 v8, v4;
	v8, v14, _ =	vpop (xrf1)  }
0xbb: {  	v5 =	vsel vm1, v5, v7;
	v6 =	vsel vm1, v6, v10;
	vm1 =	vge.f32 v11, v8  }
0xbc: {  	v4 =	vmul.f32 $1.442695020e+00, v4;
	(xrf1) =	vsort.dscd.msk.f32 $0xffff, v5, v6;
	v5 =	vsel vm1, v11, v8;
	_ =	sdelay $0x1  }
0xbd: {  	v6 =	vsel vm1, v13, v14  }
0xbe: {  	v7, v10, _ =	vpop (xrf1)  }
0xbf: {  	(erf) = vpow2.f32 v4;
	(xrf1) =	vsort.ascd.msk.f32 $0xffff, v5, v6;
	v4, v5, _ =	vpop (xrf1)  }
0xc0: {  	v6, v11, _ =	vpop (xrf1)  }
0xc1: {  	v13, v14, _ =	vpop (xrf1)  }
0xc2: {  	vm1 =	vge.f32 v4, v6;
	v15, v16, _ =	vpop (xrf1)  }
0xc3: {  	v4 =	vsel vm1, v4, v6;
	v5 =	vsel vm1, v5, v11;
	vm1 =	vge.f32 v13, v15  }
0xc4: {  	v11 =	vsel vm1, v14, v16  }
0xc5: {  	v8 =	vpop (erf);
	v6 =	vsel vm1, v13, v15  }
0xc6: {  	v17, v18, _ =	vpop (xrf1)  }
0xc7: {  	(xrf1) =	vsort.dscd.msk.f32 $0xffff, v4, v5;
	v4, v5, _ =	vpop (xrf1)  }
0xc8: {  	v8 =	vnsel vm0, $0x0, v8;
	vm1 =	vge.f32 v7, v17;
	(xrf1) =	vsort.ascd.msk.f32 $0xffff, v6, v11;
	v6, v11, _ =	vpop (xrf1)  }
0xc9: {  	(xrf2) =	vadd.scan.msk.f32 $0xffff, v8;
	v7 =	vsel vm1, v7, v17;
	v10 =	vsel vm1, v10, v18;
	vm1 =	vge.f32 v4, v6  }
0xca: {  	v5 =	vsel vm1, v5, v11;
	_ =	sdelay $0x1  }
0xcb: {  	v13 =	vpop (erf);
	(xrf1) =	vsort.dscd.msk.f32 $0xffff, v7, v10;
	v4 =	vsel vm1, v4, v6  }
0xcc: {  	(xrf1) =	vsort.ascd.msk.f32 $0xffff, v4, v5;
	v4 =	vnsel vm0, $0x0, v13;
	v5, v6, _ =	vpop (xrf1)  }
0xcd: {  	(xrf2) =	vadd.scan.msk.f32 $0xffff, v4;
	v7, v10, _ =	vpop (xrf1)  }
0xce: {  	vm1 =	vge.f32 v5, v7  }
0xcf: {  	v5 =	vsel vm1, v5, v7;
	_ =	sdelay $0x1  }
0xd0: {  	v6 =	vsel vm1, v6, v10  }
0xd1: {  	(xrf1) =	vsort.dscd.msk.f32 $0xffff, v5, v6;
	v5, _, _ =	vpop (xrf2)  }
0xd2: {  	v5 =	vbroadcast v5, $0xF;
	_ =	sdelay $0x1  }
0xd3: {  	v6, v7, _ =	vpop (xrf1)  }
0xd4: {  	v10, v11, _ =	vpop (xrf1)  }
0xd5: {  	(erf) = vrcp.f32 v5;
	v5, _, _ =	vpop (xrf2)  }
0xd6: {  	vm1 =	vge.f32 v6, v10;
	v5 =	vbroadcast v5, $0xF  }
0xd7: {  	v13, v14, _ =	vpop (xrf1);
	v6 =	vsel vm1, v6, v10;
	v7 =	vsel vm1, v7, v11  }
0xd8: {  	(xrf1) =	vsort.dscd.msk.f32 $0xffff, v6, v7;
	v10, v11, _ =	vpop (xrf1);
	(erf) = vrcp.f32 v5  }
0xd9: {  	vm1 =	vge.f32 v13, v10  }
0xda: {  	v5 =	vsel vm1, v13, v10;
	v6 =	vsel vm1, v14, v11  }
0xdb: {  	s21 =	simm.s32 $0xB00;
	(xrf1) =	vsort.dscd.msk.f32 $0xffff, v5, v6  }
0xdc: {  	v6 =	vld [tilespmem:s21+$0xFFFFFF00];
	_ =	sdelay $0x1  }
0xdd: {  	v10 =	vpop (erf)  }
0xde: {  	v7 =	vld [tilespmem:s21+$0xFFFFFF10];
	v11, v5, _ =	vpop (xrf1)  }
0xdf: {  	v13 =	vld [tilespmem:s21+$0xFFFFFF20];
	v8 =	vmul.f32 v10, v8;
	(xrf0) =	vmax.scan.msk.f32 $0xffff, v11  }
0xe0: {  	s18 =	simm.s32 $0x10070;
	v10 =	vld [tilespmem:s21+$0xFFFFFF30];
	(xrf1) =	vsort.dscd.msk.f32 $0xffff, v6, v0;
	v6 =	vpop (erf)  }
0xe1: {  	s17 =	simm.s32 $0x110F0;
	[tilespmem:s18+$0xFFFFFFF0] =	vst.msk $0xff, v8;
	v4 =	vmul.f32 v6, v4  }
0xe2: {  	[tilespmem:s17+$0xFFFFFFF0] =	vst.msk $0xff, v12  }
0xe3: {  	(xrf1) =	vsort.ascd.msk.f32 $0xffff, v7, v1;
	v6 =	vld [tilespmem:s20+$0xFFFFFF80];
	[tilespmem:s13+$0xFFFFFFF8] =	vst.msk $0xff, v4  }
0xe4: {  	(xrf1) =	vsort.dscd.msk.f32 $0xffff, v13, v2;
	[tilespmem:s14+$0xFFFFFFF8] =	vst.msk $0xff, v9  }
0xe5: {  	(xrf1) =	vsort.ascd.msk.f32 $0xffff, v10, v3;
	v8, v9, _ =	vpop (xrf1);
	v4 =	vld [tilespmem:s25+$0x0]  }
0xe6: {  	v7, _, _ =	vpop (xrf0);
	v10 =	vld [tilespmem:s25+$0x10];
	(xrf0) =	vmax.scan.msk.f32 $0xffff, v8  }
0xe7: {  	v12 =	vld [tilespmem:s25+$0x20]  }
0xe8: {  	v13 =	vbroadcast v7, $0xF;
	(xrf1) =	vsort.dscd.msk.f32 $0xffff, v6, v0;
	v6, v7, _ =	vpop (xrf1)  }
0xe9: {  	(xrf0) =	vmax.scan.msk.f32 $0xffff, v6  }
0xea: {  	v14 =	vld [tilespmem:s25+$0x30];
	v11 =	vsub.f32 v11, v13;
	(xrf1) =	vsort.dscd.msk.f32 $0xffff, v4, v0  }
0xeb: {  	v15 =	vld [tilespmem:s20+$0xFFFFFF90];
	(xrf1) =	vsort.ascd.msk.f32 $0xffff, v10, v1  }
0xec: {  	v4 =	vld [tilespmem:s20+$0xFFFFFFA0];
	v10 =	vmul.f32 $1.442695020e+00, v11;
	(xrf1) =	vsort.dscd.msk.f32 $0xffff, v12, v2;
	v12, _, _ =	vpop (xrf0)  }
0xed: {  	v11 =	vld [tilespmem:s20+$0xFFFFFFB0];
	v12 =	vbroadcast v12, $0xF;
	_ =	sdelay $0x1  }
0xee: {  	(xrf1) =	vsort.ascd.msk.f32 $0xffff, v14, v3;
	(erf) = vpow2.f32 v10;
	v42, _, _ =	vpop (xrf0)  }
0xef: {  	(xrf1) =	vsort.ascd.msk.f32 $0xffff, v15, v1;
	v10, v13, _ =	vpop (xrf1)  }
0xf0: {  	(xrf1) =	vsort.dscd.msk.f32 $0xffff, v4, v2;
	v14, v15, _ =	vpop (xrf1)  }
0xf1: {  	v4 =	vsub.f32 v8, v12;
	(xrf1) =	vsort.ascd.msk.f32 $0xffff, v11, v3;
	v11 =	vbroadcast v42, $0xF;
	vm1 =	vge.f32 v10, v14;
	v8, v12, _ =	vpop (xrf1)  }
0xf2: {  	v10 =	vsel vm1, v10, v14;
	v44, v43, _ =	vpop (xrf1)  }
0xf3: {  	v13 =	vsel vm1, v13, v15;
	v6 =	vsub.f32 v6, v11;
	vm1 =	vge.f32 v8, v44  }
0xf4: {  	v4 =	vmul.f32 $1.442695020e+00, v4;
	(xrf1) =	vsort.dscd.msk.f32 $0xffff, v10, v13;
	v8 =	vsel vm1, v8, v44;
	v10 =	vsel vm1, v12, v43  }
0xf5: {  	v6 =	vmul.f32 $1.442695020e+00, v6;
	_ =	sdelay $0x1  }
0xf6: {  	(erf) = vpow2.f32 v4;
	(xrf1) =	vsort.ascd.msk.f32 $0xffff, v8, v10;
	v10 =	vpop (erf)  }
0xf7: {  	v4, v8, _ =	vpop (xrf1)  }
0xf8: {  	(erf) = vpow2.f32 v6;
	v6, v11, _ =	vpop (xrf1)  }
0xf9: {  	v12, v13, _ =	vpop (xrf1)  }
0xfa: {  	v14, v15, _ =	vpop (xrf1)  }
0xfb: {  	vm1 =	vge.f32 v6, v12;
	v45, v46, _ =	vpop (xrf1)  }
0xfc: {  	v6 =	vsel vm1, v6, v12;
	v11 =	vsel vm1, v11, v13;
	vm1 =	vge.f32 v14, v45  }
0xfd: {  	v13 =	vsel vm1, v15, v46  }
0xfe: {  	v47, v19, _ =	vpop (xrf1);
	v12 =	vsel vm1, v14, v45  }
0xff: {  	v10 =	vnsel vm0, $0x0, v10;
	(xrf1) =	vsort.dscd.msk.f32 $0xffff, v6, v11;
	v6 =	vpop (erf)  }
0x100: {  	(xrf2) =	vadd.scan.msk.f32 $0xffff, v10;
	vm1 =	vge.f32 v4, v47;
	v11, v14, _ =	vpop (xrf1)  }
0x101: {  	(xrf1) =	vsort.ascd.msk.f32 $0xffff, v12, v13;
	v8 =	vsel vm1, v8, v19;
	v12, v13, _ =	vpop (xrf1)  }
0x102: {  	v4 =	vsel vm1, v4, v47;
	v6 =	vnsel vm0, $0x0, v6;
	vm1 =	vge.f32 v11, v12  }
0x103: {  	(xrf2) =	vadd.scan.msk.f32 $0xffff, v6;
	v11 =	vsel vm1, v11, v12;
	v12 =	vsel vm1, v14, v13;
	_ =	sdelay $0x1  }
0x104: {  	(xrf1) =	vsort.dscd.msk.f32 $0xffff, v4, v8;
	v4, v8, _ =	vpop (xrf1)  }
0x105: {  	(xrf1) =	vsort.ascd.msk.f32 $0xffff, v11, v12;
	v12, v13, _ =	vpop (xrf1)  }
0x106: {  	v15 =	vpop (erf);
	vm1 =	vge.f32 v4, v12  }
0x107: {  	v11 =	vnsel vm0, $0x0, v15;
	v4 =	vsel vm1, v4, v12  }
0x108: {  	(xrf2) =	vadd.scan.msk.f32 $0xffff, v11  }
0x109: {  	v8 =	vsel vm1, v8, v13  }
0x10a: {  	(xrf1) =	vsort.dscd.msk.f32 $0xffff, v4, v8;
	v4, _, _ =	vpop (xrf2)  }
0x10b: {  	v4 =	vbroadcast v4, $0xF  }
0x10c: {  	v8, _, _ =	vpop (xrf2)  }
0x10d: {  	(erf) = vrcp.f32 v4;
	v4 =	vbroadcast v8, $0xF;
	v8, v12, _ =	vpop (xrf1)  }
0x10e: {  	v13, v14, _ =	vpop (xrf1)  }
0x10f: {  	vm1 =	vge.f32 v8, v13  }
0x110: {  	(erf) = vrcp.f32 v4;
	v12 =	vsel vm1, v12, v14  }
0x111: {  	v8 =	vsel vm1, v8, v13  }
0x112: {  	v4, _, _ =	vpop (xrf2)  }
0x113: {  	v13, v14, _ =	vpop (xrf1);
	v4 =	vbroadcast v4, $0xF  }
0x114: {  	(xrf1) =	vsort.dscd.msk.f32 $0xffff, v8, v12;
	v8, v12, _ =	vpop (xrf1)  }
0x115: {  	(erf) = vrcp.f32 v4;
	vm1 =	vge.f32 v13, v8  }
0x116: {  	v4 =	vsel vm1, v13, v8  }
0x117: {  	v8 =	vsel vm1, v14, v12;
	v12 =	vpop (erf)  }
0x118: {  	s24 =	simm.s32 $0xD00;
	v10 =	vmul.f32 v12, v10  }
0x119: {  	s28 =	simm.s32 $0x10090;
	(xrf1) =	vsort.dscd.msk.f32 $0xffff, v4, v8;
	v8 =	vld [tilespmem:s24+$0xFFFFFF00];
	v14 =	vpop (erf)  }
0x11a: {  	s22 =	simm.s32 $0x11110;
	v12 =	vld [tilespmem:s24+$0xFFFFFF10];
	[tilespmem:s28+$0xFFFFFFF0] =	vst.msk $0xff, v10;
	v6 =	vmul.f32 v14, v6;
	v13, v4, _ =	vpop (xrf1)  }
0x11b: {  	v15 =	vld [tilespmem:s24+$0xFFFFFF20];
	[tilespmem:s22+$0xFFFFFFF0] =	vst.msk $0xff, v5;
	(xrf0) =	vmax.scan.msk.f32 $0xffff, v13  }
0x11c: {  	v10 =	vld [tilespmem:s24+$0xFFFFFF30];
	[tilespmem:s12+$0x0] =	vst.msk $0xff, v6  }
0x11d: {  	v5 =	vld [tilespmem:s19+$0xFFFFFF80];
	[tilespmem:s11+$0x0] =	vst.msk $0xff, v9  }
0x11e: {  	(xrf1) =	vsort.dscd.msk.f32 $0xffff, v8, v0;
	v6 =	vpop (erf);
	v8 =	vld [tilespmem:s26+$0x80]  }
0x11f: {  	(xrf1) =	vsort.ascd.msk.f32 $0xffff, v12, v1;
	v9 =	vld [tilespmem:s26+$0x90];
	v6 =	vmul.f32 v6, v11  }
0x120: {  	(xrf1) =	vsort.dscd.msk.f32 $0xffff, v15, v2  }
0x121: {  	v11 =	vld [tilespmem:s26+$0xA0];
	(xrf1) =	vsort.ascd.msk.f32 $0xffff, v10, v3;
	[tilespmem:s15+$0xFFFFFFF8] =	vst.msk $0xff, v6;
	v10, _, _ =	vpop (xrf0)  }
0x122: {  	(xrf1) =	vsort.dscd.msk.f32 $0xffff, v5, v0;
	[tilespmem:s16+$0xFFFFFFF8] =	vst.msk $0xff, v7;
	v7 =	vld [tilespmem:s26+$0xB0];
	v5 =	vbroadcast v10, $0xF  }
0x123: {  	(xrf1) =	vsort.dscd.msk.f32 $0xffff, v8, v0  }
0x124: {  	v12, v6, _ =	vpop (xrf1);
	(xrf1) =	vsort.ascd.msk.f32 $0xffff, v9, v1  }
0x125: {  	v10 =	vld [tilespmem:s23+$0x0];
	(xrf0) =	vmax.scan.msk.f32 $0xffff, v12;
	v8 =	vsub.f32 v13, v5  }
0x126: {  	v13 =	vld [tilespmem:s23+$0x10];
	(xrf1) =	vsort.dscd.msk.f32 $0xffff, v11, v2  }
0x127: {  	v14 =	vld [tilespmem:s23+$0x20];
	v8 =	vmul.f32 $1.442695020e+00, v8;
	(xrf1) =	vsort.ascd.msk.f32 $0xffff, v7, v3;
	v9, v5, _ =	vpop (xrf1)  }
0x128: {  	v11 =	vld [tilespmem:s23+$0x30];
	(xrf0) =	vmax.scan.msk.f32 $0xffff, v9  }
0x129: {  	v15 =	vld [tilespmem:s19+$0xFFFFFF90]  }
0x12a: {  	v7 =	vld [tilespmem:s19+$0xFFFFFFA0];
	(xrf1) =	vsort.dscd.msk.f32 $0xffff, v10, v0  }
0x12b: {  	(erf) = vpow2.f32 v8;
	(xrf1) =	vsort.ascd.msk.f32 $0xffff, v13, v1;
	v8, _, _ =	vpop (xrf0)  }
0x12c: {  	(xrf1) =	vsort.dscd.msk.f32 $0xffff, v14, v2;
	v13, v14, _ =	vpop (xrf1)  }
0x12d: {  	v10 =	vld [tilespmem:s19+$0xFFFFFFB0];
	(xrf1) =	vsort.ascd.msk.f32 $0xffff, v11, v3;
	v11, v48, _ =	vpop (xrf1);
	v8 =	vbroadcast v8, $0xF  }
0x12e: {  	(xrf1) =	vsort.ascd.msk.f32 $0xffff, v15, v1;
	v15, _, _ =	vpop (xrf0)  }
0x12f: {  	v49, v50, _ =	vpop (xrf1);
	(xrf1) =	vsort.dscd.msk.f32 $0xffff, v7, v2;
	v7 =	vsub.f32 v12, v8;
	v15 =	vbroadcast v15, $0xF;
	_ =	sdelay $0x1  }
0x130: {  	vm1 =	vge.f32 v13, v11;
	v8, v12, _ =	vpop (xrf1);
	v7 =	vmul.f32 $1.442695020e+00, v7  }
0x131: {  	v14 =	vsel vm1, v14, v48;
	(xrf1) =	vsort.ascd.msk.f32 $0xffff, v10, v3;
	v10, v51, _ =	vpop (xrf1);
	v9 =	vsub.f32 v9, v15  }
0x132: {  	(erf) = vpow2.f32 v7;
	v15, v21, _ =	vpop (xrf1)  }
0x133: {  	v7 =	vsel vm1, v13, v11;
	vm1 =	vge.f32 v49, v8;
	v9 =	vmul.f32 $1.442695020e+00, v9;
	v11, v13, _ =	vpop (xrf1)  }
0x134: {  	(xrf1) =	vsort.dscd.msk.f32 $0xffff, v7, v14;
	v7 =	vsel vm1, v49, v8;
	v8 =	vsel vm1, v50, v12;
	v52, v22, _ =	vpop (xrf1)  }
0x135: {  	(xrf1) =	vsort.ascd.msk.f32 $0xffff, v7, v8;
	vm1 =	vge.f32 v15, v11;
	v12, v14, _ =	vpop (xrf1)  }
0x136: {  	v8 =	vsel vm1, v15, v11;
	v11 =	vsel vm1, v21, v13;
	vm1 =	vge.f32 v52, v12  }
0x137: {  	v20 =	vpop (erf);
	v14 =	vsel vm1, v22, v14  }
0x138: {  	(erf) = vpow2.f32 v9;
	v7, v9, _ =	vpop (xrf1);
	v12 =	vsel vm1, v52, v12  }
0x139: {  	v13, v15, _ =	vpop (xrf1)  }
0x13a: {  	(xrf1) =	vsort.dscd.msk.f32 $0xffff, v8, v11;
	v11, v53, _ =	vpop (xrf1)  }
0x13b: {  	v8 =	vnsel vm0, $0x0, v20;
	(xrf1) =	vsort.ascd.msk.f32 $0xffff, v12, v14;
	vm1 =	vge.f32 v7, v13;
	v12, v14, _ =	vpop (xrf1)  }
0x13c: {  	(xrf2) =	vadd.scan.msk.f32 $0xffff, v8;
	v7 =	vsel vm1, v7, v13;
	v9 =	vsel vm1, v9, v15;
	vm1 =	vge.f32 v11, v12  }
0x13d: {  	v11 =	vsel vm1, v11, v12;
	v12 =	vsel vm1, v53, v14  }
0x13e: {  	v13 =	vpop (erf);
	(xrf1) =	vsort.dscd.msk.f32 $0xffff, v7, v9  }
0x13f: {  	v54, v55, _ =	vpop (xrf1)  }
0x140: {  	v7, v14, _ =	vpop (xrf1)  }
0x141: {  	v9 =	vnsel vm0, $0x0, v13;
	vm1 =	vge.f32 v10, v54;
	(xrf1) =	vsort.ascd.msk.f32 $0xffff, v11, v12;
	v11, v12, _ =	vpop (xrf1)  }
0x142: {  	v10 =	vsel vm1, v10, v54;
	v13 =	vsel vm1, v51, v55;
	vm1 =	vge.f32 v7, v11  }
0x143: {  	v7 =	vsel vm1, v7, v11  }
0x144: {  	(xrf2) =	vadd.scan.msk.f32 $0xffff, v9  }
0x145: {  	(xrf1) =	vsort.dscd.msk.f32 $0xffff, v10, v13;
	v11 =	vsel vm1, v14, v12  }
0x146: {  	(xrf1) =	vsort.ascd.msk.f32 $0xffff, v7, v11;
	v7, _, _ =	vpop (xrf2)  }
0x147: {  	v10 =	vpop (erf);
	v7 =	vbroadcast v7, $0xF  }
0x148: {  	v11, v12, _ =	vpop (xrf1)  }
0x149: {  	v10 =	vnsel vm0, $0x0, v10;
	v13, v14, _ =	vpop (xrf1)  }
0x14a: {  	(xrf2) =	vadd.scan.msk.f32 $0xffff, v10;
	v15, v56, _ =	vpop (xrf1);
	vm1 =	vge.f32 v11, v13  }
0x14b: {  	(erf) = vrcp.f32 v7;
	v11 =	vsel vm1, v11, v13;
	v12 =	vsel vm1, v12, v14;
	v7, v57, _ =	vpop (xrf1)  }
0x14c: {  	v60, v59, _ =	vpop (xrf1);
	(xrf1) =	vsort.dscd.msk.f32 $0xffff, v11, v12;
	_ =	sdelay $0x2  }
0x14d: {  	v58, _, _ =	vpop (xrf2);
	vm1 =	vge.f32 v15, v7  }
0x14e: {  	v14 =	vbroadcast v58, $0xF;
	v7 =	vsel vm1, v15, v7;
	v11 =	vsel vm1, v56, v57  }
0x14f: {  	(xrf1) =	vsort.dscd.msk.f32 $0xffff, v7, v11  }
0x150: {  	(erf) = vrcp.f32 v14  }
0x151: {  	v13, v61, _ =	vpop (xrf1)  }
0x152: {  	v62, _, _ =	vpop (xrf2);
	vm1 =	vge.f32 v60, v13  }
0x153: {  	v12, v15, _ =	vpop (xrf1);
	v7 =	vbroadcast v62, $0xF;
	v11 =	vsel vm1, v60, v13  }
0x154: {  	v14, v63, _ =	vpop (xrf1)  }
0x155: {  	v13 =	vsel vm1, v59, v61;
	(erf) = vrcp.f32 v7;
	vm1 =	vge.f32 v12, v14  }
0x156: {  	s29 =	simm.s32 $0x18;
	s30 =	simm.s32 $0xF00;
	s26 =	simm.s32 $0x10090;
	(xrf1) =	vsort.dscd.msk.f32 $0xffff, v11, v13;
	v11 =	vpop (erf);
	v12 =	vsel vm1, v12, v14;
	v13 =	vsel vm1, v15, v63  }
.LBB2_2:
0x157: {  	v7 =	vld [tilespmem:s30+$0xFFFFFF00];
	(xrf1) =	vsort.dscd.msk.f32 $0xffff, v12, v13;
	s31 =	smov.u32 s11;
	s11 =	smov.u32 s14;
	s14 =	smov.u32 s16  }
0x158: {  	v8 =	vmul.f32 v11, v8;
	s16 =	smov.u32 s17;
	s17 =	smov.u32 s22;
	v12 =	vld [tilespmem:s30+$0xFFFFFF10];
	v13, v14, _ =	vpop (xrf1)  }
0x159: {  	s28 =	sadd.s32 $0x20, s28;
	v11 =	vpop (erf)  }
0x15a: {  	s22 =	sadd.s32 $0x20, s22;
	v15 =	vld [tilespmem:s30+$0xFFFFFF20];
	(xrf0) =	vmax.scan.msk.f32 $0xffff, v13;
	[tilespmem:s28+$0xFFFFFFF0] =	vst.msk $0xff, v8;
	v16 =	vmul.f32 v11, v9  }
0x15b: {  	v9 =	vld [tilespmem:s30+$0xFFFFFF30];
	[tilespmem:s22+$0xFFFFFFF0] =	vst.msk $0xff, v4;
	v4 =	vmov v14  }
0x15c: {  	(xrf1) =	vsort.dscd.msk.f32 $0xffff, v7, v0;
	v11 =	vld [tilespmem:s21+$0xFFFFFF80];
	[tilespmem:s13+$0x0] =	vst.msk $0xff, v16  }
0x15d: {  	(xrf1) =	vsort.ascd.msk.f32 $0xffff, v12, v1;
	[tilespmem:s11+$0x0] =	vst.msk $0xff, v6;
	v8, v7, _ =	vpop (xrf1)  }
0x15e: {  	v6 =	vpop (erf)  }
0x15f: {  	v6 =	vmul.f32 v6, v10  }
0x160: {  	v12 =	vld [tilespmem:s25+$0x80];
	(xrf0) =	vmax.scan.msk.f32 $0xffff, v8  }
0x161: {  	(xrf1) =	vsort.dscd.msk.f32 $0xffff, v15, v2;
	v10 =	vld [tilespmem:s25+$0x90]  }
0x162: {  	(xrf1) =	vsort.ascd.msk.f32 $0xffff, v9, v3;
	v9, _, _ =	vpop (xrf0)  }
0x163: {  	v14 =	vld [tilespmem:s25+$0xA0];
	v9 =	vbroadcast v9, $0xF  }
0x164: {  	(xrf1) =	vsort.dscd.msk.f32 $0xffff, v11, v0;
	[tilespmem:s18+$0xFFFFFFF8] =	vst.msk $0xff, v6;
	v11, v6, _ =	vpop (xrf1)  }
0x165: {  	[tilespmem:s16+$0xFFFFFFF8] =	vst.msk $0xff, v5;
	v5 =	vsub.f32 v13, v9;
	_ =	sdelay $0x1  }
0x166: {  	(xrf0) =	vmax.scan.msk.f32 $0xffff, v11;
	v15 =	vld [tilespmem:s25+$0xB0];
	s25 =	smov.u32 s23;
	s23 =	smov.u32 s20;
	s20 =	smov.u32 s19  }
0x167: {  	s19 =	smov.u32 s21;
	s21 =	smov.u32 s24;
	s24 =	smov.u32 s30;
	v9 =	vld [tilespmem:s23+$0x0];
	(xrf1) =	vsort.dscd.msk.f32 $0xffff, v12, v0  }
0x168: {  	v12 =	vld [tilespmem:s23+$0x10];
	(xrf1) =	vsort.ascd.msk.f32 $0xffff, v10, v1;
	v10, _, _ =	vpop (xrf0)  }
0x169: {  	v13 =	vmul.f32 $1.442695020e+00, v5;
	v17 =	vld [tilespmem:s23+$0x20];
	v10 =	vbroadcast v10, $0xF;
	v16, v5, _ =	vpop (xrf1);
	(xrf1) =	vsort.dscd.msk.f32 $0xffff, v14, v2  }
0x16a: {  	(xrf0) =	vmax.scan.msk.f32 $0xffff, v16;
	v14 =	vld [tilespmem:s23+$0x30]  }
0x16b: {  	v8 =	vsub.f32 v8, v10;
	(erf) = vpow2.f32 v13;
	v13 =	vld [tilespmem:s19+$0xFFFFFF90];
	(xrf1) =	vsort.ascd.msk.f32 $0xffff, v15, v3  }
0x16c: {  	(xrf1) =	vsort.dscd.msk.f32 $0xffff, v9, v0;
	v9, _, _ =	vpop (xrf0)  }
0x16d: {  	v20 =	vmul.f32 $1.442695020e+00, v8;
	v10 =	vld [tilespmem:s19+$0xFFFFFFA0];
	(xrf1) =	vsort.ascd.msk.f32 $0xffff, v12, v1  }
0x16e: {  	v12, v15, _ =	vpop (xrf1);
	v18 =	vld [tilespmem:s19+$0xFFFFFFB0];
	(xrf1) =	vsort.dscd.msk.f32 $0xffff, v17, v2  }
0x16f: {  	v17, v19, _ =	vpop (xrf1);
	(xrf1) =	vsort.ascd.msk.f32 $0xffff, v14, v3;
	(erf) = vpow2.f32 v20  }
0x170: {  	v9 =	vbroadcast v9, $0xF;
	(xrf1) =	vsort.ascd.msk.f32 $0xffff, v13, v1;
	v8, _, _ =	vpop (xrf0)  }
0x171: {  	vm1 =	vge.f32 v12, v17;
	v13, v14, _ =	vpop (xrf1)  }
0x172: {  	v9 =	vsub.f32 v11, v9;
	v12 =	vsel vm1, v12, v17;
	v20, v21, _ =	vpop (xrf1);
	(xrf1) =	vsort.dscd.msk.f32 $0xffff, v10, v2  }
0x173: {  	v8 =	vbroadcast v8, $0xF;
	v10, v11, _ =	vpop (xrf1);
	(xrf1) =	vsort.ascd.msk.f32 $0xffff, v18, v3  }
0x174: {  	v18 =	vsel vm1, v15, v19;
	v19 =	vmul.f32 $1.442695020e+00, v9;
	v17 =	vpop (erf)  }
0x175: {  	vm1 =	vge.f32 v13, v20;
	v8 =	vsub.f32 v16, v8;
	(xrf1) =	vsort.dscd.msk.f32 $0xffff, v12, v18;
	v12, v15, _ =	vpop (xrf1)  }
0x176: {  	v22 =	vsel vm1, v13, v20;
	v21 =	vsel vm1, v14, v21;
	(erf) = vpow2.f32 v19;
	v9, v16, _ =	vpop (xrf1)  }
0x177: {  	(xrf1) =	vsort.ascd.msk.f32 $0xffff, v22, v21;
	v22 =	vmul.f32 $1.442695020e+00, v8;
	v13, v14, _ =	vpop (xrf1)  }
0x178: {  	v18 =	vpop (erf)  }
0x179: {  	vm1 =	vge.f32 v12, v9;
	(erf) = vpow2.f32 v22;
	v8, v19, _ =	vpop (xrf1);
	v18 =	vnsel vm0, $0x0, v18  }
0x17a: {  	v23 =	vsel vm1, v12, v9;
	v22 =	vsel vm1, v15, v16;
	v20, v21, _ =	vpop (xrf1);
	vm1 =	vge.f32 v13, v8;
	(xrf2) =	vadd.scan.msk.f32 $0xffff, v18  }
0x17b: {  	v15, v16, _ =	vpop (xrf1);
	v8 =	vsel vm1, v13, v8;
	v24 =	vsel vm1, v14, v19;
	(xrf1) =	vsort.dscd.msk.f32 $0xffff, v23, v22  }
0x17c: {  	v9, v12, _ =	vpop (xrf1);
	(xrf1) =	vsort.ascd.msk.f32 $0xffff, v8, v24  }
0x17d: {  	v8 =	vnsel vm0, $0x0, v17;
	vm1 =	vge.f32 v20, v15;
	v13, v14, _ =	vpop (xrf1)  }
0x17e: {  	v20 =	vsel vm1, v20, v15;
	v16 =	vsel vm1, v21, v16;
	vm1 =	vge.f32 v9, v13  }
0x17f: {  	(xrf2) =	vadd.scan.msk.f32 $0xffff, v8;
	v17, v19, _ =	vpop (xrf1);
	v12 =	vsel vm1, v12, v14  }
0x180: {  	v9 =	vsel vm1, v9, v13;
	(xrf1) =	vsort.dscd.msk.f32 $0xffff, v20, v16;
	v13 =	vpop (erf)  }
0x181: {  	v14, v15, _ =	vpop (xrf1);
	(xrf1) =	vsort.ascd.msk.f32 $0xffff, v9, v12;
	v9 =	vnsel vm0, $0x0, v13  }
0x182: {  	vm1 =	vge.f32 v10, v17;
	(xrf2) =	vadd.scan.msk.f32 $0xffff, v9;
	v12, v13, _ =	vpop (xrf1)  }
0x183: {  	v10 =	vsel vm1, v10, v17;
	v20 =	vsel vm1, v11, v19;
	vm1 =	vge.f32 v14, v12;
	v16 =	vpop (erf)  }
0x184: {  	v17, v19, _ =	vpop (xrf1);
	v21 =	vsel vm1, v14, v12;
	v14 =	vsel vm1, v15, v13;
	(xrf1) =	vsort.dscd.msk.f32 $0xffff, v10, v20  }
0x185: {  	v10 =	vnsel vm0, $0x0, v16;
	(xrf1) =	vsort.ascd.msk.f32 $0xffff, v21, v14;
	v11, _, _ =	vpop (xrf2)  }
0x186: {  	v12, v13, _ =	vpop (xrf1);
	(xrf2) =	vadd.scan.msk.f32 $0xffff, v10;
	v14 =	vbroadcast v11, $0xF  }
0x187: {  	vm1 =	vge.f32 v17, v12  }
0x188: {  	v17 =	vsel vm1, v17, v12;
	v19 =	vsel vm1, v19, v13;
	(erf) = vrcp.f32 v14  }
0x189: {  	(xrf1) =	vsort.dscd.msk.f32 $0xffff, v17, v19;
	v11, _, _ =	vpop (xrf2)  }
0x18a: {  	v16 =	vbroadcast v11, $0xF;
	v12, v13, _ =	vpop (xrf1)  }
0x18b: {  	v14, v15, _ =	vpop (xrf1)  }
0x18c: {  	s29 =	sadd.s32 $0x4, s29;
	(erf) = vrcp.f32 v16;
	v11, _, _ =	vpop (xrf2);
	vm1 =	vge.f32 v12, v14  }
0x18d: {  	p0 =	slt.u32 s29, $0x1FC;
	v17 =	vbroadcast v11, $0xF;
	v11 =	vsel vm1, v12, v14;
	v16 =	vsel vm1, v13, v15  }
0x18e: {  	v14, v15, _ =	vpop (xrf1);
	(xrf1) =	vsort.dscd.msk.f32 $0xffff, v11, v16  }
0x18f: {  	v12, v13, _ =	vpop (xrf1)  }
0x190: {  	(erf) = vrcp.f32 v17;
	vm1 =	vge.f32 v14, v12  }
0x191: {  	v11, _, _ =	vpop (xrf2);
	v13 =	vsel vm1, v15, v13  }
.Ltmp0:
0x192: {  	v12 =	vsel vm1, v14, v12;
	v14 =	vpop (erf);
	(pc) =	sbr.rel @p0 .LBB2_2-.Ltmp0, $4  }
0x193: {  	v17 =	vbroadcast v11, $0xF;
	v15, v16, _ =	vpop (xrf1);
	(xrf1) =	vsort.dscd.msk.f32 $0xffff, v12, v13;
	v12 =	vmul.f32 v14, v18  }
0x194: {  	v13, v14, _ =	vpop (xrf1)  }
0x195: {  	vm1 =	vge.f32 v15, v13;
	(erf) = vrcp.f32 v17;
	[tilespmem:s12+$0x8] =	vst.msk $0xff, v12;
	s12 =	smov.u32 s13;
	s13 =	smov.u32 s15;
	s15 =	smov.u32 s18  }
0x196: {  	s30 =	sadd.s32 $0x200, s30;
	s18 =	smov.u32 s26;
	s26 =	smov.u32 s28;
	v11 =	vpop (erf);
	v12 =	vsel vm1, v15, v13;
	v13 =	vsel vm1, v16, v14;
	[tilespmem:s31+$0x8] =	vst.msk $0xff, v7  }
0x197: {  	_ = 	snop  }
0x198: {  	(xrf1) =	vsort.dscd.msk.f32 $0xffff, v12, v13  }
0x199: {  	v53, v7, _ =	vpop (xrf1);
	v8 =	vmul.f32 v11, v8  }
0x19a: {  	s28 =	sadd.s32 $0x20, s28;
	v54 =	vpop (erf)  }
0x19b: {  	s29 =	sadd.s32 $0x20, s22;
	(xrf0) =	vmax.scan.msk.f32 $0xffff, v53;
	[tilespmem:s28+$0xFFFFFFF0] =	vst.msk $0xff, v8;
	v55 =	vmul.f32 v54, v9  }
0x19c: {  	[tilespmem:s29+$0xFFFFFFF0] =	vst.msk $0xff, v4  }
0x19d: {  	v56 =	vld [tilespmem:s21+$0xFFFFFF80];
	[tilespmem:s13+$0x0] =	vst.msk $0xff, v55;
	v57, v4, _ =	vpop (xrf1)  }
0x19e: {  	[tilespmem:s14+$0x0] =	vst.msk $0xff, v6;
	(xrf0) =	vmax.scan.msk.f32 $0xffff, v57;
	v58 =	vpop (erf)  }
0x19f: {  	v59 =	vld [tilespmem:s25+$0x80];
	v8 =	vmul.f32 v58, v10  }
0x1a0: {  	v60 =	vld [tilespmem:s25+$0x90]  }
0x1a1: {  	v61, _, _ =	vpop (xrf0);
	v14 =	vld [tilespmem:s25+$0xA0];
	[tilespmem:s18+$0xFFFFFFF8] =	vst.msk $0xff, v8  }
0x1a2: {  	v13 =	vbroadcast v61, $0xF;
	(xrf1) =	vsort.dscd.msk.f32 $0xffff, v56, v0;
	v15, v9, _ =	vpop (xrf1);
	[tilespmem:s17+$0xFFFFFFF8] =	vst.msk $0xff, v5;
	v5 =	vld [tilespmem:s25+$0xB0]  }
0x1a3: {  	(xrf0) =	vmax.scan.msk.f32 $0xffff, v15  }
0x1a4: {  	v62 =	vsub.f32 v53, v13;
	v63 =	vld [tilespmem:s20+$0x0];
	(xrf1) =	vsort.dscd.msk.f32 $0xffff, v59, v0;
	v21, _, _ =	vpop (xrf0)  }
0x1a5: {  	v20 =	vld [tilespmem:s20+$0x10];
	(xrf1) =	vsort.ascd.msk.f32 $0xffff, v60, v1;
	v10 =	vbroadcast v21, $0xF  }
0x1a6: {  	v13 =	vmul.f32 $1.442695020e+00, v62;
	v17 =	vld [tilespmem:s20+$0x20];
	v16, v8, _ =	vpop (xrf1);
	(xrf1) =	vsort.dscd.msk.f32 $0xffff, v14, v2  }
0x1a7: {  	v22 =	vld [tilespmem:s20+$0x30];
	(xrf1) =	vsort.ascd.msk.f32 $0xffff, v5, v3;
	v5 =	vsub.f32 v57, v10  }
0x1a8: {  	(erf) = vpow2.f32 v13;
	(xrf0) =	vmax.scan.msk.f32 $0xffff, v16  }
0x1a9: {  	(xrf1) =	vsort.dscd.msk.f32 $0xffff, v63, v0;
	v5 =	vmul.f32 $1.442695020e+00, v5  }
0x1aa: {  	v23 =	vld [tilespmem:s21+$0xFFFFFF90];
	v26, _, _ =	vpop (xrf0);
	(xrf1) =	vsort.ascd.msk.f32 $0xffff, v20, v1  }
0x1ab: {  	v24 =	vld [tilespmem:s21+$0xFFFFFFA0];
	(xrf1) =	vsort.dscd.msk.f32 $0xffff, v17, v2;
	(erf) = vpow2.f32 v5;
	v5 =	vbroadcast v26, $0xF  }
0x1ac: {  	v25 =	vld [tilespmem:s21+$0xFFFFFFB0];
	(xrf1) =	vsort.ascd.msk.f32 $0xffff, v22, v3  }
0x1ad: {  	v5 =	vsub.f32 v15, v5;
	_ =	sdelay $0x1  }
0x1ae: {  	(xrf1) =	vsort.ascd.msk.f32 $0xffff, v23, v1;
	v27, _, _ =	vpop (xrf0);
	v5 =	vmul.f32 $1.442695020e+00, v5  }
0x1af: {  	(xrf1) =	vsort.dscd.msk.f32 $0xffff, v24, v2;
	v29, v28, _ =	vpop (xrf1)  }
0x1b0: {  	(xrf1) =	vsort.ascd.msk.f32 $0xffff, v25, v3;
	v30 =	vpop (erf)  }
0x1b1: {  	v11 =	vbroadcast v27, $0xF;
	v32, v31, _ =	vpop (xrf1)  }
0x1b2: {  	(erf) = vpow2.f32 v5;
	v5, v33, _ =	vpop (xrf1)  }
0x1b3: {  	v11 =	vsub.f32 v16, v11;
	v35, v34, _ =	vpop (xrf1)  }
0x1b4: {  	v18 =	vpop (erf)  }
0x1b5: {  	v11 =	vmul.f32 $1.442695020e+00, v11;
	vm1 =	vge.f32 v32, v5;
	v19, v20, _ =	vpop (xrf1)  }
0x1b6: {  	v5 =	vsel vm1, v32, v5;
	v36 =	vsel vm1, v31, v33;
	v21, v22, _ =	vpop (xrf1);
	vm1 =	vge.f32 v35, v19  }
0x1b7: {  	(erf) = vpow2.f32 v11;
	(xrf1) =	vsort.dscd.msk.f32 $0xffff, v5, v36;
	v38, v37, _ =	vpop (xrf1);
	v39 =	vsel vm1, v35, v19;
	v40 =	vsel vm1, v34, v20  }
0x1b8: {  	v5 =	vnsel vm0, $0x0, v18;
	v42, v41, _ =	vpop (xrf1);
	(xrf1) =	vsort.ascd.msk.f32 $0xffff, v39, v40  }
0x1b9: {  	v10 =	vnsel vm0, $0x0, v30;
	(xrf2) =	vadd.scan.msk.f32 $0xffff, v5;
	vm1 =	vge.f32 v21, v38;
	v15, v16, _ =	vpop (xrf1)  }
0x1ba: {  	(xrf2) =	vadd.scan.msk.f32 $0xffff, v10;
	v11 =	vsel vm1, v21, v38;
	v14 =	vsel vm1, v22, v37;
	vm1 =	vge.f32 v42, v15  }
0x1bb: {  	(xrf1) =	vsort.dscd.msk.f32 $0xffff, v11, v14;
	v46 =	vpop (erf);
	v13 =	vsel vm1, v42, v15;
	v45 =	vsel vm1, v41, v16  }
0x1bc: {  	v44, v43, _ =	vpop (xrf1);
	v11 =	vnsel vm0, $0x0, v46;
	(xrf1) =	vsort.ascd.msk.f32 $0xffff, v13, v45  }
0x1bd: {  	v48, v47, _ =	vpop (xrf1);
	(xrf2) =	vadd.scan.msk.f32 $0xffff, v11  }
0x1be: {  	vm1 =	vge.f32 v29, v44;
	v13, v15, _ =	vpop (xrf1)  }
0x1bf: {  	v6 =	vsel vm1, v29, v44;
	v12 =	vsel vm1, v28, v43;
	vm1 =	vge.f32 v48, v13  }
0x1c0: {  	(xrf1) =	vsort.dscd.msk.f32 $0xffff, v6, v12;
	v50 =	vpop (erf);
	v13 =	vsel vm1, v48, v13;
	v49 =	vsel vm1, v47, v15  }
0x1c1: {  	v51 =	vnsel vm0, $0x0, v50;
	(xrf1) =	vsort.ascd.msk.f32 $0xffff, v13, v49  }
0x1c2: {  	(xrf2) =	vadd.scan.msk.f32 $0xffff, v51  }
0x1c3: {  	v52, _, _ =	vpop (xrf2)  }
0x1c4: {  	v53, _, _ =	vpop (xrf2)  }
0x1c5: {  	v6 =	vbroadcast v52, $0xF;
	v54, v15, _ =	vpop (xrf1)  }
0x1c6: {  	v13 =	vbroadcast v53, $0xF;
	v56, v55, _ =	vpop (xrf1)  }
0x1c7: {  	(erf) = vrcp.f32 v6;
	v57, _, _ =	vpop (xrf2);
	vm1 =	vge.f32 v54, v56  }
0x1c8: {  	(erf) = vrcp.f32 v13;
	v13 =	vbroadcast v57, $0xF;
	v6 =	vsel vm1, v54, v56;
	_ =	sdelay $0x1  }
0x1c9: {  	v58 =	vsel vm1, v15, v55;
	v15, v16, _ =	vpop (xrf1);
	(erf) = vrcp.f32 v13  }
0x1ca: {  	(xrf1) =	vsort.dscd.msk.f32 $0xffff, v6, v58;
	v6, v14, _ =	vpop (xrf1)  }
0x1cb: {  	v59, _, _ =	vpop (xrf2);
	vm1 =	vge.f32 v15, v6  }
0x1cc: {  	v13 =	vbroadcast v59, $0xF;
	v6 =	vsel vm1, v15, v6  }
0x1cd: {  	v60, v61, _ =	vpop (xrf1)  }
0x1ce: {  	(erf) = vrcp.f32 v13;
	v14 =	vsel vm1, v16, v14;
	v63, v62, _ =	vpop (xrf1)  }
0x1cf: {  	(xrf1) =	vsort.dscd.msk.f32 $0xffff, v6, v14;
	v6 =	vpop (erf)  }
0x1d0: {  	v22 =	vpop (erf)  }
0x1d1: {  	vm1 =	vge.f32 v60, v63;
	v10 =	vmul.f32 v22, v10  }
0x1d2: {  	s31 =	sadd.s32 $0x20, s28;
	v20 =	vsel vm1, v60, v63;
	v21 =	vsel vm1, v61, v62;
	v23 =	vpop (erf)  }
0x1d3: {  	s30 =	sadd.s32 $0x20, s29;
	(xrf1) =	vsort.dscd.msk.f32 $0xffff, v20, v21;
	v24 =	vmul.f32 v23, v11;
	[tilespmem:s31+$0xFFFFFFF0] =	vst.msk $0xff, v10  }
0x1d4: {  	[tilespmem:s30+$0xFFFFFFF0] =	vst.msk $0xff, v7  }
0x1d5: {  	[tilespmem:s15+$0x0] =	vst.msk $0xff, v24  }
0x1d6: {  	v25 =	vld [tilespmem:s24+$0xFFFFFF80];
	[tilespmem:s16+$0x0] =	vst.msk $0xff, v9  }
0x1d7: {  	v27 =	vpop (erf);
	v28 =	vld [tilespmem:s23+$0x80]  }
0x1d8: {  	v10 =	vmul.f32 v27, v51;
	v26, v7, _ =	vpop (xrf1);
	v29 =	vld [tilespmem:s23+$0x90]  }
0x1d9: {  	v30 =	vld [tilespmem:s23+$0xA0];
	(xrf0) =	vmax.scan.msk.f32 $0xffff, v26  }
0x1da: {  	v32 =	vld [tilespmem:s23+$0xB0];
	[tilespmem:s26+$0xFFFFFFF8] =	vst.msk $0xff, v10  }
0x1db: {  	[tilespmem:s22+$0xFFFFFFF8] =	vst.msk $0xff, v8;
	(xrf1) =	vsort.dscd.msk.f32 $0xffff, v25, v0  }
0x1dc: {  	v8 =	vld [tilespmem:s19+$0x0];
	(xrf1) =	vsort.dscd.msk.f32 $0xffff, v28, v0  }
0x1dd: {  	(xrf1) =	vsort.ascd.msk.f32 $0xffff, v29, v1  }
0x1de: {  	v33 =	vld [tilespmem:s19+$0x10];
	v31, v11, _ =	vpop (xrf1);
	(xrf1) =	vsort.dscd.msk.f32 $0xffff, v30, v2  }
0x1df: {  	v35 =	vld [tilespmem:s19+$0x20];
	v34, _, _ =	vpop (xrf0);
	(xrf1) =	vsort.ascd.msk.f32 $0xffff, v32, v3  }
0x1e0: {  	v36 =	vld [tilespmem:s19+$0x30];
	(xrf0) =	vmax.scan.msk.f32 $0xffff, v31;
	v12 =	vbroadcast v34, $0xF  }
0x1e1: {  	v16, v17, _ =	vpop (xrf1);
	(xrf1) =	vsort.dscd.msk.f32 $0xffff, v8, v0  }
0x1e2: {  	v37 =	vld [tilespmem:s24+$0xFFFFFF90];
	(xrf0) =	vmax.scan.msk.f32 $0xffff, v16;
	v9 =	vsub.f32 v26, v12  }
0x1e3: {  	(xrf1) =	vsort.ascd.msk.f32 $0xffff, v33, v1  }
0x1e4: {  	v38 =	vld [tilespmem:s24+$0xFFFFFFA0];
	(xrf1) =	vsort.dscd.msk.f32 $0xffff, v35, v2;
	v9 =	vmul.f32 $1.442695020e+00, v9  }
0x1e5: {  	v39 =	vld [tilespmem:s24+$0xFFFFFFB0];
	(xrf1) =	vsort.ascd.msk.f32 $0xffff, v36, v3  }
0x1e6: {  	v40, _, _ =	vpop (xrf0);
	(erf) = vpow2.f32 v9  }
0x1e7: {  	(xrf1) =	vsort.ascd.msk.f32 $0xffff, v37, v1;
	v41 =	vbroadcast v40, $0xF  }
0x1e8: {  	v43, _, _ =	vpop (xrf0)  }
0x1e9: {  	(xrf1) =	vsort.dscd.msk.f32 $0xffff, v38, v2;
	v42 =	vsub.f32 v31, v41;
	v9, v10, _ =	vpop (xrf1)  }
0x1ea: {  	(xrf1) =	vsort.ascd.msk.f32 $0xffff, v39, v3;
	v45, v44, _ =	vpop (xrf1)  }
0x1eb: {  	v8 =	vmul.f32 $1.442695020e+00, v42;
	v12 =	vbroadcast v43, $0xF;
	v47, v46, _ =	vpop (xrf1)  }
0x1ec: {  	v49, v48, _ =	vpop (xrf1)  }
0x1ed: {  	(erf) = vpow2.f32 v8;
	v12 =	vsub.f32 v16, v12;
	vm1 =	vge.f32 v45, v47;
	v51, v52, _ =	vpop (xrf1)  }
0x1ee: {  	v8 =	vsel vm1, v45, v47;
	v54 =	vsel vm1, v44, v46;
	vm1 =	vge.f32 v49, v51  }
0x1ef: {  	v50 =	vpop (erf);
	(xrf1) =	vsort.dscd.msk.f32 $0xffff, v8, v54;
	v57 =	vsel vm1, v49, v51;
	v58 =	vsel vm1, v48, v52  }
0x1f0: {  	v12 =	vmul.f32 $1.442695020e+00, v12;
	v53, v23, _ =	vpop (xrf1);
	(xrf1) =	vsort.ascd.msk.f32 $0xffff, v57, v58  }
0x1f1: {  	v56, v55, _ =	vpop (xrf1)  }
0x1f2: {  	(erf) = vpow2.f32 v12;
	v60, v59, _ =	vpop (xrf1)  }
0x1f3: {  	vm1 =	vge.f32 v53, v56;
	v15, v16, _ =	vpop (xrf1)  }
0x1f4: {  	v12 =	vsel vm1, v53, v56;
	v14 =	vsel vm1, v23, v55;
	vm1 =	vge.f32 v60, v15  }
0x1f5: {  	v62, v61, _ =	vpop (xrf1);
	(xrf1) =	vsort.dscd.msk.f32 $0xffff, v12, v14;
	v13 =	vsel vm1, v60, v15;
	v63 =	vsel vm1, v59, v16  }
0x1f6: {  	v8 =	vnsel vm0, $0x0, v50;
	v21 =	vpop (erf);
	(xrf1) =	vsort.ascd.msk.f32 $0xffff, v13, v63  }
0x1f7: {  	(xrf2) =	vadd.scan.msk.f32 $0xffff, v8;
	v23, v22, _ =	vpop (xrf1);
	v12 =	vnsel vm0, $0x0, v21  }
0x1f8: {  	vm1 =	vge.f32 v9, v62;
	(xrf2) =	vadd.scan.msk.f32 $0xffff, v12;
	v13, v15, _ =	vpop (xrf1)  }
0x1f9: {  	v9 =	vsel vm1, v9, v62;
	v10 =	vsel vm1, v10, v61;
	vm1 =	vge.f32 v23, v13  }
0x1fa: {  	(xrf1) =	vsort.dscd.msk.f32 $0xffff, v9, v10;
	v13 =	vsel vm1, v23, v13;
	v24 =	vsel vm1, v22, v15  }
0x1fb: {  	v25 =	vpop (erf);
	(xrf1) =	vsort.ascd.msk.f32 $0xffff, v13, v24  }
0x1fc: {  	v26 =	vnsel vm0, $0x0, v25  }
0x1fd: {  	(xrf2) =	vadd.scan.msk.f32 $0xffff, v26;
	v28, v29, _ =	vpop (xrf1)  }
0x1fe: {  	v15, v16, _ =	vpop (xrf1)  }
0x1ff: {  	vm1 =	vge.f32 v28, v15  }
0x200: {  	v14 =	vsel vm1, v29, v16  }
0x201: {  	v27, _, _ =	vpop (xrf2);
	v10 =	vsel vm1, v28, v15  }
0x202: {  	v30, _, _ =	vpop (xrf2)  }
0x203: {  	v9 =	vbroadcast v27, $0xF;
	v32, v31, _ =	vpop (xrf1)  }
0x204: {  	v18 =	vbroadcast v30, $0xF;
	(xrf1) =	vsort.dscd.msk.f32 $0xffff, v10, v14;
	v10, v14, _ =	vpop (xrf1)  }
0x205: {  	(erf) = vrcp.f32 v9;
	vm1 =	vge.f32 v32, v10  }
0x206: {  	(erf) = vrcp.f32 v18;
	v9 =	vsel vm1, v32, v10  }
0x207: {  	v33, _, _ =	vpop (xrf2)  }
0x208: {  	v34 =	vsel vm1, v31, v14;
	v14, v15, _ =	vpop (xrf1)  }
0x209: {  	v16 =	vbroadcast v33, $0xF;
	(xrf1) =	vsort.dscd.msk.f32 $0xffff, v9, v34;
	v9, v10, _ =	vpop (xrf1)  }
0x20a: {  	vm1 =	vge.f32 v14, v9  }
0x20b: {  	(erf) = vrcp.f32 v16;
	v10 =	vsel vm1, v15, v10;
	_ =	sdelay $0x1  }
0x20c: {  	v9 =	vsel vm1, v14, v9  }
0x20d: {  	(xrf1) =	vsort.dscd.msk.f32 $0xffff, v9, v10;
	v10 =	vpop (erf)  }
0x20e: {  	v35 =	vpop (erf)  }
0x20f: {  	v9 =	vmul.f32 v35, v12;
	_ =	sdelay $0x2  }
0x210: {  	[tilespmem:s18+$0x0] =	vst.msk $0xff, v9  }
0x211: {  	v37 =	vpop (erf);
	[tilespmem:s17+$0x0] =	vst.msk $0xff, v11  }
0x212: {  	v38 =	vld [tilespmem:s20+$0x80];
	v36, v9, _ =	vpop (xrf1)  }
0x213: {  	v12 =	vmul.f32 v37, v26;
	v39 =	vld [tilespmem:s20+$0x90];
	(xrf0) =	vmax.scan.msk.f32 $0xffff, v36  }
0x214: {  	v40 =	vld [tilespmem:s20+$0xA0]  }
0x215: {  	[tilespmem:s28+$0xFFFFFFF8] =	vst.msk $0xff, v12;
	v42 =	vld [tilespmem:s20+$0xB0];
	v41, v16, _ =	vpop (xrf1)  }
0x216: {  	[tilespmem:s29+$0xFFFFFFF8] =	vst.msk $0xff, v17;
	(xrf0) =	vmax.scan.msk.f32 $0xffff, v41  }
0x217: {  	v43 =	vld [tilespmem:s21+$0x0];
	(xrf1) =	vsort.dscd.msk.f32 $0xffff, v38, v0  }
0x218: {  	v44 =	vld [tilespmem:s21+$0x10];
	(xrf1) =	vsort.ascd.msk.f32 $0xffff, v39, v1  }
0x219: {  	v47 =	vld [tilespmem:s21+$0x20];
	(xrf1) =	vsort.dscd.msk.f32 $0xffff, v40, v2;
	v45, _, _ =	vpop (xrf0)  }
0x21a: {  	v46, v20, _ =	vpop (xrf1);
	(xrf1) =	vsort.ascd.msk.f32 $0xffff, v42, v3;
	v13 =	vbroadcast v45, $0xF  }
0x21b: {  	v48 =	vld [tilespmem:s21+$0x30];
	(xrf0) =	vmax.scan.msk.f32 $0xffff, v46  }
0x21c: {  	(xrf1) =	vsort.dscd.msk.f32 $0xffff, v43, v0;
	v11 =	vsub.f32 v36, v13  }
0x21d: {  	v49, _, _ =	vpop (xrf0);
	(xrf1) =	vsort.ascd.msk.f32 $0xffff, v44, v1  }
0x21e: {  	v50 =	vbroadcast v49, $0xF;
	(xrf1) =	vsort.dscd.msk.f32 $0xffff, v47, v2;
	v11 =	vmul.f32 $1.442695020e+00, v11;
	_ =	sdelay $0x1  }
0x21f: {  	(xrf1) =	vsort.ascd.msk.f32 $0xffff, v48, v3;
	(erf) = vpow2.f32 v11;
	v11 =	vsub.f32 v41, v50;
	_ =	sdelay $0x1  }
0x220: {  	v51, _, _ =	vpop (xrf0);
	v11 =	vmul.f32 $1.442695020e+00, v11  }
0x221: {  	v12 =	vbroadcast v51, $0xF  }
0x222: {  	(erf) = vpow2.f32 v11  }
0x223: {  	v12 =	vsub.f32 v46, v12;
	v53, v52, _ =	vpop (xrf1)  }
0x224: {  	v55, v54, _ =	vpop (xrf1)  }
0x225: {  	v12 =	vmul.f32 $1.442695020e+00, v12;
	v56, v57, _ =	vpop (xrf1);
	vm1 =	vge.f32 v53, v55  }
0x226: {  	v60, v59, _ =	vpop (xrf1);
	v11 =	vsel vm1, v53, v55  }
0x227: {  	v63 =	vsel vm1, v52, v54;
	vm1 =	vge.f32 v56, v60;
	v58 =	vpop (erf);
	(erf) = vpow2.f32 v12  }
0x228: {  	v62, v61, _ =	vpop (xrf1);
	v18 =	vsel vm1, v57, v59  }
0x229: {  	(xrf1) =	vsort.dscd.msk.f32 $0xffff, v11, v63;
	v14, v15, _ =	vpop (xrf1);
	v17 =	vsel vm1, v56, v60  }
0x22a: {  	v25, v24, _ =	vpop (xrf1);
	v11 =	vnsel vm0, $0x0, v58;
	(xrf1) =	vsort.ascd.msk.f32 $0xffff, v17, v18;
	vm1 =	vge.f32 v62, v14  }
0x22b: {  	(xrf2) =	vadd.scan.msk.f32 $0xffff, v11;
	v12 =	vsel vm1, v62, v14;
	v26 =	vsel vm1, v61, v15;
	v28 =	vpop (erf)  }
0x22c: {  	(xrf1) =	vsort.dscd.msk.f32 $0xffff, v12, v26;
	v17, v18, _ =	vpop (xrf1);
	v29 =	vnsel vm0, $0x0, v28  }
0x22d: {  	vm1 =	vge.f32 v25, v17;
	(xrf2) =	vadd.scan.msk.f32 $0xffff, v29  }
0x22e: {  	v13 =	vsel vm1, v25, v17;
	v27 =	vsel vm1, v24, v18  }
0x22f: {  	(xrf1) =	vsort.ascd.msk.f32 $0xffff, v13, v27  }
0x230: {  	v30 =	vpop (erf)  }
0x231: {  	v31 =	vnsel vm0, $0x0, v30  }
0x232: {  	(xrf2) =	vadd.scan.msk.f32 $0xffff, v31;
	_ =	sdelay $0x3  }
0x233: {  	v32, _, _ =	vpop (xrf2)  }
0x234: {  	v12 =	vbroadcast v32, $0xF;
	v35, _, _ =	vpop (xrf2)  }
0x235: {  	v18 =	vbroadcast v35, $0xF  }
0x236: {  	v34, v33, _ =	vpop (xrf1);
	(erf) = vrcp.f32 v12  }
0x237: {  	v36, v37, _ =	vpop (xrf1);
	(erf) = vrcp.f32 v18  }
0x238: {  	v39, v38, _ =	vpop (xrf1)  }
0x239: {  	v41, _, _ =	vpop (xrf2)  }
0x23a: {  	vm1 =	vge.f32 v34, v36;
	v40, v24, _ =	vpop (xrf1);
	v43 =	vbroadcast v41, $0xF  }
0x23b: {  	v15 =	vsel vm1, v34, v36;
	v17 =	vsel vm1, v33, v37;
	vm1 =	vge.f32 v39, v40  }
0x23c: {  	v12 =	vsel vm1, v39, v40;
	(erf) = vrcp.f32 v43  }
0x23d: {  	(xrf1) =	vsort.dscd.msk.f32 $0xffff, v15, v17  }
0x23e: {  	v42 =	vsel vm1, v38, v24  }
0x23f: {  	(xrf1) =	vsort.dscd.msk.f32 $0xffff, v12, v42;
	v12 =	vpop (erf)  }
0x240: {  	v44 =	vpop (erf)  }
0x241: {  	v13 =	vmul.f32 v44, v29;
	_ =	sdelay $0x1  }
0x242: {  	[tilespmem:s26+$0x0] =	vst.msk $0xff, v13  }
0x243: {  	[tilespmem:s22+$0x0] =	vst.msk $0xff, v16  }
0x244: {  	v45 =	vpop (erf);
	v46 =	vld [tilespmem:s19+$0x80]  }
0x245: {  	v16 =	vld [tilespmem:s19+$0x90];
	v14 =	vmul.f32 v45, v31;
	_ =	sdelay $0x1  }
0x246: {  	v48 =	vld [tilespmem:s19+$0xA0];
	[tilespmem:s31+$0xFFFFFFF8] =	vst.msk $0xff, v14  }
0x247: {  	v50 =	vld [tilespmem:s19+$0xB0];
	[tilespmem:s30+$0xFFFFFFF8] =	vst.msk $0xff, v20  }
0x248: {  	v51 =	vld [tilespmem:s24+$0x0];
	(xrf1) =	vsort.dscd.msk.f32 $0xffff, v46, v0  }
0x249: {  	v47, v13, _ =	vpop (xrf1);
	v52 =	vld [tilespmem:s24+$0x10];
	(xrf1) =	vsort.ascd.msk.f32 $0xffff, v16, v1  }
0x24a: {  	(xrf0) =	vmax.scan.msk.f32 $0xffff, v47;
	v53 =	vld [tilespmem:s24+$0x20]  }
0x24b: {  	v54 =	vld [tilespmem:s24+$0x30];
	(xrf1) =	vsort.dscd.msk.f32 $0xffff, v48, v2  }
0x24c: {  	(xrf1) =	vsort.ascd.msk.f32 $0xffff, v50, v3  }
0x24d: {  	(xrf1) =	vsort.dscd.msk.f32 $0xffff, v51, v0  }
0x24e: {  	(xrf1) =	vsort.ascd.msk.f32 $0xffff, v52, v1  }
0x24f: {  	(xrf1) =	vsort.dscd.msk.f32 $0xffff, v53, v2  }
0x250: {  	v49, v19, _ =	vpop (xrf1);
	(xrf1) =	vsort.ascd.msk.f32 $0xffff, v54, v3;
	_ =	sdelay $0x1  }
0x251: {  	(xrf0) =	vmax.scan.msk.f32 $0xffff, v49;
	_ =	sdelay $0x2  }
0x252: {  	v55, _, _ =	vpop (xrf0)  }
0x253: {  	v58, v57, _ =	vpop (xrf1)  }
0x254: {  	v60, v59, _ =	vpop (xrf1)  }
0x255: {  	v56, _, _ =	vpop (xrf0);
	vm1 =	vge.f32 v58, v60  }
0x256: {  	v61, v62, _ =	vpop (xrf1);
	v20 =	vsel vm1, v57, v59  }
0x257: {  	v15 =	vbroadcast v55, $0xF;
	v25, v26, _ =	vpop (xrf1);
	v18 =	vsel vm1, v58, v60  }
0x258: {  	v63, v27, _ =	vpop (xrf1)  }
0x259: {  	v15 =	vsub.f32 v47, v15;
	v16 =	vbroadcast v56, $0xF;
	vm1 =	vge.f32 v61, v25;
	v30, v31, _ =	vpop (xrf1)  }
0x25a: {  	(xrf1) =	vsort.dscd.msk.f32 $0xffff, v18, v20;
	v23 =	vsel vm1, v61, v25;
	v24 =	vsel vm1, v62, v26;
	v18, v20, _ =	vpop (xrf1)  }
0x25b: {  	v15 =	vmul.f32 $1.442695020e+00, v15;
	v14 =	vsub.f32 v49, v16;
	(xrf1) =	vsort.ascd.msk.f32 $0xffff, v23, v24;
	vm1 =	vge.f32 v63, v30;
	v32, v33, _ =	vpop (xrf1)  }
0x25c: {  	v17 =	vsel vm1, v63, v30;
	v34 =	vsel vm1, v27, v31;
	vm1 =	vge.f32 v18, v32  }
0x25d: {  	v14 =	vmul.f32 $1.442695020e+00, v14;
	(xrf1) =	vsort.dscd.msk.f32 $0xffff, v17, v34;
	v16 =	vsel vm1, v18, v32;
	v35 =	vsel vm1, v20, v33  }
0x25e: {  	(erf) = vpow2.f32 v15;
	(xrf1) =	vsort.ascd.msk.f32 $0xffff, v16, v35  }
0x25f: {  	(erf) = vpow2.f32 v14;
	_ =	sdelay $0x7  }
0x260: {  	v36 =	vpop (erf)  }
0x261: {  	v37 =	vpop (erf)  }
0x262: {  	v39, v38, _ =	vpop (xrf1)  }
0x263: {  	v14 =	vnsel vm0, $0x0, v36;
	v40, v20, _ =	vpop (xrf1)  }
0x264: {  	(xrf2) =	vadd.scan.msk.f32 $0xffff, v14;
	v41 =	vnsel vm0, $0x0, v37;
	v43, v42, _ =	vpop (xrf1)  }
0x265: {  	(xrf2) =	vadd.scan.msk.f32 $0xffff, v41;
	vm1 =	vge.f32 v39, v40;
	v45, v44, _ =	vpop (xrf1)  }
0x266: {  	v16 =	vsel vm1, v39, v40;
	v17 =	vsel vm1, v38, v20;
	vm1 =	vge.f32 v43, v45  }
0x267: {  	(xrf1) =	vsort.dscd.msk.f32 $0xffff, v16, v17;
	v15 =	vsel vm1, v43, v45;
	v46 =	vsel vm1, v42, v44  }
0x268: {  	(xrf1) =	vsort.dscd.msk.f32 $0xffff, v15, v46;
	_ =	sdelay $0x5  }
0x269: {  	v47, _, _ =	vpop (xrf2)  }
0x26a: {  	v48, _, _ =	vpop (xrf2);
	v15 =	vbroadcast v47, $0xF  }
0x26b: {  	v16 =	vbroadcast v48, $0xF  }
0x26c: {  	(erf) = vrcp.f32 v15  }
0x26d: {  	(erf) = vrcp.f32 v16;
	_ =	sdelay $0x2  }
0x26e: {  	v49, v15, _ =	vpop (xrf1)  }
0x26f: {  	(xrf0) =	vmax.scan.msk.f32 $0xffff, v49;
	v51, v50, _ =	vpop (xrf1)  }
0x270: {  	(xrf0) =	vmax.scan.msk.f32 $0xffff, v51;
	_ =	sdelay $0x2  }
0x271: {  	v20 =	vpop (erf)  }
0x272: {  	v52 =	vpop (erf)  }
0x273: {  	v53, _, _ =	vpop (xrf0)  }
0x274: {  	v23 =	vbroadcast v53, $0xF;
	v54, _, _ =	vpop (xrf0)  }
0x275: {  	v21 =	vmul.f32 v52, v41;
	v55 =	vbroadcast v54, $0xF  }
0x276: {  	v16 =	vsub.f32 v49, v23  }
0x277: {  	[tilespmem:s28+$0x0] =	vst.msk $0xff, v21;
	v17 =	vsub.f32 v51, v55  }
0x278: {  	[tilespmem:s29+$0x0] =	vst.msk $0xff, v19;
	v16 =	vmul.f32 $1.442695020e+00, v16  }
0x279: {  	v19 =	vld [tilespmem:s21+$0x80];
	v17 =	vmul.f32 $1.442695020e+00, v17  }
0x27a: {  	v21 =	vld [tilespmem:s21+$0x90];
	(erf) = vpow2.f32 v16  }
0x27b: {  	v56 =	vld [tilespmem:s21+$0xA0];
	(erf) = vpow2.f32 v17;
	_ =	sdelay $0x2  }
0x27c: {  	v57 =	vld [tilespmem:s21+$0xB0];
	(xrf1) =	vsort.dscd.msk.f32 $0xffff, v19, v0  }
0x27d: {  	(xrf1) =	vsort.ascd.msk.f32 $0xffff, v21, v1  }
0x27e: {  	(xrf1) =	vsort.dscd.msk.f32 $0xffff, v56, v2;
	_ =	sdelay $0x2  }
0x27f: {  	(xrf1) =	vsort.ascd.msk.f32 $0xffff, v57, v3;
	v58 =	vpop (erf)  }
0x280: {  	v16 =	vnsel vm0, $0x0, v58;
	v59 =	vpop (erf)  }
0x281: {  	(xrf2) =	vadd.scan.msk.f32 $0xffff, v16;
	v17 =	vnsel vm0, $0x0, v59  }
0x282: {  	(xrf2) =	vadd.scan.msk.f32 $0xffff, v17;
	_ =	sdelay $0x5  }
0x283: {  	v19, v60, _ =	vpop (xrf1)  }
0x284: {  	v62, v61, _ =	vpop (xrf1)  }
0x285: {  	v32, v63, _ =	vpop (xrf1)  }
0x286: {  	v33, _, _ =	vpop (xrf2)  }
0x287: {  	vm1 =	vge.f32 v19, v62;
	v26 =	vbroadcast v33, $0xF;
	v34, _, _ =	vpop (xrf2)  }
0x288: {  	v19 =	vsel vm1, v19, v62;
	v35, v28, _ =	vpop (xrf1);
	v27 =	vbroadcast v34, $0xF  }
0x289: {  	v21 =	vsel vm1, v60, v61;
	vm1 =	vge.f32 v32, v35;
	(erf) = vrcp.f32 v26  }
0x28a: {  	(xrf1) =	vsort.dscd.msk.f32 $0xffff, v19, v21;
	v22 =	vsel vm1, v32, v35;
	v36 =	vsel vm1, v63, v28;
	(erf) = vrcp.f32 v27  }
0x28b: {  	(xrf1) =	vsort.ascd.msk.f32 $0xffff, v22, v36;
	_ =	sdelay $0x6  }
0x28c: {  	v37 =	vpop (erf)  }
0x28d: {  	v38 =	vpop (erf)  }
0x28e: {  	v17 =	vmul.f32 v38, v17;
	_ =	sdelay $0x1  }
0x28f: {  	[tilespmem:s31+$0x0] =	vst.msk $0xff, v17  }
0x290: {  	[tilespmem:s30+$0x0] =	vst.msk $0xff, v50  }
0x291: {  	v39, v40, _ =	vpop (xrf1);
	v41 =	vld [tilespmem:s24+$0x80]  }
0x292: {  	v22, v23, _ =	vpop (xrf1);
	v42 =	vld [tilespmem:s24+$0x90]  }
0x293: {  	vm1 =	vge.f32 v39, v22;
	v43 =	vld [tilespmem:s24+$0xA0]  }
0x294: {  	v18 =	vsel vm1, v40, v23;
	v17 =	vsel vm1, v39, v22;
	v44 =	vld [tilespmem:s24+$0xB0]  }
0x295: {  	(xrf1) =	vsort.dscd.msk.f32 $0xffff, v17, v18  }
0x296: {  	(xrf1) =	vsort.dscd.msk.f32 $0xffff, v41, v0  }
0x297: {  	(xrf1) =	vsort.ascd.msk.f32 $0xffff, v42, v1  }
0x298: {  	(xrf1) =	vsort.dscd.msk.f32 $0xffff, v43, v2  }
0x299: {  	(xrf1) =	vsort.ascd.msk.f32 $0xffff, v44, v3;
	_ =	sdelay $0x9  }
0x29a: {  	v17, v18, _ =	vpop (xrf1)  }
0x29b: {  	v21, v45, _ =	vpop (xrf1)  }
0x29c: {  	v46, v24, _ =	vpop (xrf1)  }
0x29d: {  	v25, v47, _ =	vpop (xrf1)  }
0x29e: {  	vm1 =	vge.f32 v21, v46;
	v49, v48, _ =	vpop (xrf1)  }
0x29f: {  	v21 =	vsel vm1, v21, v46;
	v22 =	vsel vm1, v45, v24;
	vm1 =	vge.f32 v25, v49  }
0x2a0: {  	(xrf1) =	vsort.dscd.msk.f32 $0xffff, v21, v22;
	v50 =	vsel vm1, v25, v49;
	v51 =	vsel vm1, v47, v48  }
0x2a1: {  	(xrf1) =	vsort.ascd.msk.f32 $0xffff, v50, v51;
	_ =	sdelay $0x5  }
0x2a2: {  	(xrf0) =	vmax.scan.msk.f32 $0xffff, v17;
	_ =	sdelay $0x5  }
0x2a3: {  	v52, _, _ =	vpop (xrf0)  }
0x2a4: {  	v22, v53, _ =	vpop (xrf1)  }
0x2a5: {  	v21 =	vbroadcast v52, $0xF;
	v24, v54, _ =	vpop (xrf1)  }
0x2a6: {  	vm1 =	vge.f32 v22, v24  }
0x2a7: {  	v17 =	vsub.f32 v17, v21;
	v55 =	vsel vm1, v22, v24;
	v56 =	vsel vm1, v53, v54  }
0x2a8: {  	(xrf1) =	vsort.dscd.msk.f32 $0xffff, v55, v56  }
0x2a9: {  	v17 =	vmul.f32 $1.442695020e+00, v17;
	_ =	sdelay $0x1  }
0x2aa: {  	(erf) = vpow2.f32 v17;
	_ =	sdelay $0x8  }
0x2ab: {  	v17 =	vpop (erf)  }
0x2ac: {  	v17 =	vnsel vm0, $0x0, v17  }
0x2ad: {  	(xrf2) =	vadd.scan.msk.f32 $0xffff, v17;
	v21, v22, _ =	vpop (xrf1)  }
0x2ae: {  	(xrf0) =	vmax.scan.msk.f32 $0xffff, v21;
	_ =	sdelay $0x5  }
0x2af: {  	v57, _, _ =	vpop (xrf0)  }
0x2b0: {  	v23 =	vbroadcast v57, $0xF;
	_ =	sdelay $0x1  }
0x2b1: {  	v58, _, _ =	vpop (xrf2);
	v21 =	vsub.f32 v21, v23  }
0x2b2: {  	v59 =	vbroadcast v58, $0xF  }
0x2b3: {  	v21 =	vmul.f32 $1.442695020e+00, v21  }
0x2b4: {  	(erf) = vrcp.f32 v59  }
0x2b5: {  	(erf) = vpow2.f32 v21;
	_ =	sdelay $0x7  }
0x2b6: {  	v60 =	vpop (erf)  }
0x2b7: {  	v61 =	vpop (erf)  }
0x2b8: {  	v23 =	vnsel vm0, $0x0, v61  }
0x2b9: {  	(xrf2) =	vadd.scan.msk.f32 $0xffff, v23;
	_ =	sdelay $0x9  }
0x2ba: {  	v62, _, _ =	vpop (xrf2)  }
0x2bb: {  	v5 =	vmul.f32 v6, v5;
	v63 =	vbroadcast v62, $0xF;
	_ =	sdelay $0x1  }
0x2bc: {  	[tilespmem:s12+$0x8] =	vst.msk $0xff, v5;
	v5 =	vmul.f32 v10, v8;
	(erf) = vrcp.f32 v63  }
0x2bd: {  	[tilespmem:s11+$0x8] =	vst.msk $0xff, v4  }
0x2be: {  	[tilespmem:s13+$0x8] =	vst.msk $0xff, v5;
	v4 =	vmul.f32 v12, v11  }
0x2bf: {  	[tilespmem:s14+$0x8] =	vst.msk $0xff, v7  }
0x2c0: {  	[tilespmem:s15+$0x8] =	vst.msk $0xff, v4;
	v4 =	vmul.f32 v20, v14  }
0x2c1: {  	[tilespmem:s16+$0x8] =	vst.msk $0xff, v9  }
0x2c2: {  	[tilespmem:s18+$0x8] =	vst.msk $0xff, v4;
	v4 =	vmul.f32 v37, v16  }
0x2c3: {  	[tilespmem:s17+$0x8] =	vst.msk $0xff, v13  }
0x2c4: {  	[tilespmem:s26+$0x8] =	vst.msk $0xff, v4;
	v4 =	vmul.f32 v60, v17  }
0x2c5: {  	[tilespmem:s22+$0x8] =	vst.msk $0xff, v15;
	v5 =	vpop (erf)  }
0x2c6: {  	[tilespmem:s28+$0x8] =	vst.msk $0xff, v4;
	v4 =	vmul.f32 v5, v23  }
0x2c7: {  	[tilespmem:s29+$0x8] =	vst.msk $0xff, v18  }
0x2c8: {  	[tilespmem:s31+$0x8] =	vst.msk $0xff, v4  }
0x2c9: {  	[tilespmem:s30+$0x8] =	vst.msk $0xff, v22  }
0x2ca: {  	[hbm4b:s4+s2] =	stream.linear.scatter [tilespmem:s8], [sflag:$0x1], $0x1000, $0x38;
	[tilespmem:$0x12100] =	vst v63  }
0x2cb: {  	s10 =	sadd.s32 $0x1, s10;
	_ =	swait.ge [sflag:s7], $0x1000  }
0x2cc: {  	p0 =	sne.s32 s10, s6;
	[sflag:s7] =	ssyncset.done $0x0  }
.Ltmp1:
0x2cd: {  	[sflag:s7] =	ssyncadd.s32 $0xFFFFF000;
	(pc) =	sbr.rel @p0 .LBB2_1-.Ltmp1, $4  }
0x2ce: {  	[hbm4b:s5+s2] =	stream.linear.scatter [tilespmem:s9], [sflag:$0x1], $0x1000, $0x38;
	[tilespmem:$0x12100] =	vst v63  }
0x2cf: {  	_ =	swait.ge [sflag:s7], $0x1000  }
0x2d0: {  	[sflag:s7] =	ssyncset.done $0x0  }
0x2d1: {  	[sflag:s7] =	ssyncadd.s32 $0xFFFFF000  }
0x2d2: {  	_ =	sfence.sel $0x180000  }
0x2d3: {  	[bflag:$0x0] =	sbarrier.arrive $0xFFFF  }
0x2d4: {  	p0 =	sne.s32 s1, $0x0;
	_ =	strace $0x90000047  }
0x2d5: {  	s0 =	sadd.s32 @!p0 $0x100000, s0;
	[bflag:$0x2] =	sbarrier.arrive $0xFFFF  }
0x2d6: {  	[sflag:s0] =	ssyncadd.tile.s32 @!p0 $0x1;
	_ =	shalt  }
.Lfunc_end2:
_tile_overlayer_lowered:
.L_overlay_start_2:
0x2d7: {  	(tag) =	ssettag $0x2  }
0x2d8: {  	s0 =	rddreg [dreg:$0x0];
	s2 =	stileid.u32  }
0x2d9: {  	s1 =	rddreg [dreg:$0x1];
	p0 =	sne.s32 s2, $0x0  }
0x2da: {  	s3 =	rddreg [dreg:$0x2];
	[bflag:$0x3] =	sbarrier.arrive $0xFFFF;
	s2 =	simm.s32 @!p0 $0x1C01  }
0x2db: {  	[timem:s3], [sflag:s2] =	dma.local @!p0 [hbm:s0], s1  }
0x2dc: {  	s0 =	simm.s32 @!p0 $0x1  }
0x2dd: {  	_ =	swait.ge @!p0 [sflag:s0], s1  }
0x2de: {  	s1 =	ssub.s32 @!p0 $0x0, s1;
	[sflag:s0] =	ssyncset.done @!p0 $0x0  }
0x2df: {  	[sflag:s0] =	ssyncadd.s32 @!p0 s1  }
0x2e0: {  	[bflag:$0x3] =	sbarrier.arrive $0xFFFF  }
0x2e1: {  	_ =	shalt  }

</sc_bundles>
